<compile_context>
chip_gen: v7x
topology: tpu7x:2x2x1
jax: 0.10.2.dev20260603
libtpu: 0.0.44.dev20260713+nightly
codegen_flags: <defaults>
</compile_context>

<pallas_src>
import functools

import jax
import jax.numpy as jnp
from jax import lax
from jax.experimental import pallas as pl
from jax.experimental.pallas import tpu as pltpu
from jax.experimental.pallas import tpu_sc as plsc

N = 100000
H = 128
G = 512
C = 10
CP = 16

N_PAD = 100352
N_WORKERS = 16
CHUNK = N_PAD // N_WORKERS
IDX_ROWS = CHUNK // 128
IDX_ROWS_PAD = 56

MM_BLOCK = 3136


def _mm_body(x_ref, w_ref, y_ref):
    y = jnp.dot(x_ref[...], w_ref[...], preferred_element_type=jnp.float32)
    ones_col = (lax.broadcasted_iota(jnp.int32, (1, CP), 1) == C).astype(
        jnp.float32)
    y = y + ones_col
    yv = y.reshape(MM_BLOCK // 8, 8, CP)
    y_ref[...] = jnp.concatenate([yv[:, g, :] for g in range(8)], axis=1)


def _node_logits(x, w_pad):
    return pl.pallas_call(
        _mm_body,
        grid=(N_PAD // MM_BLOCK,),
        in_specs=[
            pl.BlockSpec((MM_BLOCK, H), lambda i: (i, 0)),
            pl.BlockSpec((H, CP), lambda i: (0, 0)),
        ],
        out_specs=pl.BlockSpec((MM_BLOCK // 8, 8 * CP), lambda i: (i, 0)),
        out_shape=jax.ShapeDtypeStruct((N_PAD // 8, 8 * CP), jnp.float32),
    )(x, w_pad)


ACC_ROWS = 640


def _sc_segment_body(y_hbm, idx_hbm, b_hbm, out_hbm,
                     y_v, idx_v, fin_v, zero_v, bvec_v, acc_sh,
                     sem_idx, sem_y, sem_b, sem_sc):
    c = lax.axis_index("c")
    s = lax.axis_index("s")

    for i in range(ACC_ROWS // N_WORKERS):
        zero_v[i, :] = jnp.zeros((CP,), jnp.float32)

    @pl.when(c == 0)
    def _():
        pltpu.sync_copy(zero_v, acc_sh.at[pl.ds(s * 40, 40), :])

    plsc.subcore_barrier()

    @pl.when(c == 0)
    def _():
        pltpu.sync_copy(idx_hbm.at[pl.ds(s * CHUNK, CHUNK)], idx_v)
        pltpu.sync_copy(y_hbm.at[pl.ds(s * CHUNK, CHUNK), :], y_v)
        pltpu.sync_copy(y_v, acc_sh.at[idx_v], add=True)

    plsc.subcore_barrier()

    @pl.when(c == 0)
    def _():
        pltpu.sync_copy(b_hbm, bvec_v)
        pltpu.sync_copy(acc_sh.at[pl.ds(s * 32, 32), :], fin_v)
        bv = bvec_v[...]
        cnt_lane = jnp.full((CP,), C, jnp.int32)
        for j in range(32):
            row = fin_v[j, :]
            cnt = row.at[cnt_lane].get(mode="promise_in_bounds")
            cnt = jnp.maximum(cnt, 1.0)
            fin_v[j, :] = row / cnt + bv
        pltpu.sync_copy(fin_v, out_hbm.at[pl.ds(s * 32, 32), :])


_sc_segment = functools.partial(
    pl.kernel,
    out_type=jax.ShapeDtypeStruct((G, CP), jnp.float32),
    mesh=plsc.VectorSubcoreMesh(core_axis_name="c", subcore_axis_name="s"),
    compiler_params=pltpu.CompilerParams(use_tc_tiling_on_sc=False),
    scratch_types=[
        pltpu.VMEM((CHUNK, CP), jnp.float32),
        pltpu.VMEM((CHUNK,), jnp.int32),
        pltpu.VMEM((32, CP), jnp.float32),
        pltpu.VMEM((ACC_ROWS // N_WORKERS, CP), jnp.float32),
        pltpu.VMEM((CP,), jnp.float32),
        pltpu.VMEM_SHARED((ACC_ROWS, CP), jnp.float32),
        pltpu.SemaphoreType.DMA,
        pltpu.SemaphoreType.DMA,
        pltpu.SemaphoreType.DMA,
        pltpu.SemaphoreType.DMA,
    ],
)(_sc_segment_body)


@jax.jit
def kernel(x, batch, W, b):
    w_pad = jnp.pad(W, ((0, 0), (0, CP - C)))
    b_pad = jnp.pad(b, (0, CP - C))
    batch_pad = jnp.concatenate(
        [batch.astype(jnp.int32),
         jnp.full((N_PAD - N,), G, jnp.int32)])
    y = _node_logits(x, w_pad).reshape(N_PAD, CP)
    out = _sc_segment(y, batch_pad, b_pad)
    return out[:, :C]

# --- scband reference (transcript-rebuilt; emitter-appended) ---
"""Pipeline reference for scband-graph-classification-35132832481288 (READ-ONLY COPY).

The authoritative reference and input builder live on the scoring server;
editing this copy changes nothing except your own understanding.
"""

import jax, jax.numpy as jnp
import numpy as np

NUM_NODES = 100000
HIDDEN = 128
NUM_GRAPHS = 512
NUM_CLASSES = 10

def setup_inputs(seed: int = 0):
    key = jax.random.key(seed)
    k1, k2, k3 = jax.random.split(key, 3)
    # x is the node embedding produced by embedding_model (treated as precomputed
    # node-level output of the GNN, shape [N, hidden_size])
    x = jax.random.normal(k1, (NUM_NODES, HIDDEN), dtype=jnp.float32)
    # batch assigns each node to a graph id in [0, NUM_GRAPHS)
    batch = jnp.sort(jax.random.randint(k2, (NUM_NODES,), 0, NUM_GRAPHS))
    # classifier parameters: nn.Linear(hidden_size, output_size)
    W = jax.random.normal(k3, (HIDDEN, NUM_CLASSES), dtype=jnp.float32) * 0.05
    b = jnp.zeros((NUM_CLASSES,), dtype=jnp.float32)
    return {"x": x, "batch": batch, "W": W, "b": b}

def reference(x, batch, W, b):
    # global_mean_pool: per-graph mean of node embeddings via segment reduce
    sums = jax.ops.segment_sum(x, batch, num_segments=NUM_GRAPHS)
    counts = jax.ops.segment_sum(jnp.ones((x.shape[0],), dtype=x.dtype), batch, num_segments=NUM_GRAPHS)
    counts = jnp.maximum(counts, 1.0)
    pooled = sums / counts[:, None]
    # classifier: Linear(hidden_size, output_size)
    return pooled @ W + b

if __name__ == "__main__":
    import jax
    _d = setup_inputs()
    print(jax.jit(kernel)(*tuple(_d.values())))

</pallas_src>

<mosaic_0001>
#map = affine_map<(d0, d1) -> (0, 0)>
#map1 = affine_map<(d0, d1) -> (0)>
module attributes {stable_mosaic.version = 14 : i64} {
  func.func @_sc_segment_body(%arg0: i32, %arg1: i32, %arg2: memref<100352x16xf32, #tpu.memory_space<hbm>>, %arg3: memref<100352xi32, #tpu.memory_space<hbm>>, %arg4: memref<16xf32, #tpu.memory_space<hbm>>, %arg5: memref<512x16xf32, #tpu.memory_space<hbm>>, %arg6: memref<6272x16xf32, #tpu.memory_space<vmem>>, %arg7: memref<6272xi32, #tpu.memory_space<vmem>>, %arg8: memref<32x16xf32, #tpu.memory_space<vmem>>, %arg9: memref<40x16xf32, #tpu.memory_space<vmem>>, %arg10: memref<16xf32, #tpu.memory_space<vmem>>, %arg11: memref<640x16xf32, #tpu.memory_space<vmem_shared>>, %arg12: memref<!tpu.dma_semaphore, #tpu.memory_space<semaphore_mem>>, %arg13: memref<!tpu.dma_semaphore, #tpu.memory_space<semaphore_mem>>, %arg14: memref<!tpu.dma_semaphore, #tpu.memory_space<semaphore_mem>>, %arg15: memref<!tpu.dma_semaphore, #tpu.memory_space<semaphore_mem>>) attributes {dimension_semantics = [#tpu.dimension_semantics<core_parallel>, #tpu.dimension_semantics<subcore_parallel>], iteration_bounds = array<i64: 2, 16>, scalar_prefetch = 0 : i64, scratch_operands = 10 : i64, tpu.core_type = #tpu.core_type<sc_vector_subcore>, window_params = [{transform_indices = #map}, {transform_indices = #map1}, {transform_indices = #map1}, {transform_indices = #map}]} {
    %broadcast_in_dim3A = arith.constant 0.000000e+00 : f32
    %broadcast_in_dim3A_0 = vector.broadcast %broadcast_in_dim3A : f32 to vector<16xf32>
    %swap3A = arith.constant 0 : i32
    %swap3A_1 = arith.index_cast %swap3A : i32 to index
    %swap3A_2 = arith.constant 0 : index
    %swap3A_3 = tpu.vector_load %arg9[%swap3A_1, %swap3A_2] {strides = array<i32>} : memref<40x16xf32, #tpu.memory_space<vmem>>, vector<1x16xf32>,
    %swap3A_4 = vector.shape_cast %swap3A_3 : vector<1x16xf32> to vector<16xf32>
    %swap3A_5 = vector.shape_cast %broadcast_in_dim3A_0 : vector<16xf32> to vector<1x16xf32>
    tpu.vector_store %arg9[%swap3A_1, %swap3A_2], %swap3A_5 {strides = array<i32>} : memref<40x16xf32, #tpu.memory_space<vmem>>, vector<1x16xf32>,
    %broadcast_in_dim3A_6 = arith.constant 0.000000e+00 : f32
    %broadcast_in_dim3A_7 = vector.broadcast %broadcast_in_dim3A_6 : f32 to vector<16xf32>
    %swap3A_8 = arith.constant 1 : i32
    %swap3A_9 = arith.index_cast %swap3A_8 : i32 to index
    %swap3A_10 = arith.constant 0 : index
    %swap3A_11 = tpu.vector_load %arg9[%swap3A_9, %swap3A_10] {strides = array<i32>} : memref<40x16xf32, #tpu.memory_space<vmem>>, vector<1x16xf32>,
    %swap3A_12 = vector.shape_cast %swap3A_11 : vector<1x16xf32> to vector<16xf32>
    %swap3A_13 = vector.shape_cast %broadcast_in_dim3A_7 : vector<16xf32> to vector<1x16xf32>
    tpu.vector_store %arg9[%swap3A_9, %swap3A_10], %swap3A_13 {strides = array<i32>} : memref<40x16xf32, #tpu.memory_space<vmem>>, vector<1x16xf32>,
    %broadcast_in_dim3A_14 = arith.constant 0.000000e+00 : f32
    %broadcast_in_dim3A_15 = vector.broadcast %broadcast_in_dim3A_14 : f32 to vector<16xf32>
    %swap3A_16 = arith.constant 2 : i32
    %swap3A_17 = arith.index_cast %swap3A_16 : i32 to index
    %swap3A_18 = arith.constant 0 : index
    %swap3A_19 = tpu.vector_load %arg9[%swap3A_17, %swap3A_18] {strides = array<i32>} : memref<40x16xf32, #tpu.memory_space<vmem>>, vector<1x16xf32>,
    %swap3A_20 = vector.shape_cast %swap3A_19 : vector<1x16xf32> to vector<16xf32>
    %swap3A_21 = vector.shape_cast %broadcast_in_dim3A_15 : vector<16xf32> to vector<1x16xf32>
    tpu.vector_store %arg9[%swap3A_17, %swap3A_18], %swap3A_21 {strides = array<i32>} : memref<40x16xf32, #tpu.memory_space<vmem>>, vector<1x16xf32>,
    %broadcast_in_dim3A_22 = arith.constant 0.000000e+00 : f32
    %broadcast_in_dim3A_23 = vector.broadcast %broadcast_in_dim3A_22 : f32 to vector<16xf32>
    %swap3A_24 = arith.constant 3 : i32
    %swap3A_25 = arith.index_cast %swap3A_24 : i32 to index
    %swap3A_26 = arith.constant 0 : index
    %swap3A_27 = tpu.vector_load %arg9[%swap3A_25, %swap3A_26] {strides = array<i32>} : memref<40x16xf32, #tpu.memory_space<vmem>>, vector<1x16xf32>,
    %swap3A_28 = vector.shape_cast %swap3A_27 : vector<1x16xf32> to vector<16xf32>
    %swap3A_29 = vector.shape_cast %broadcast_in_dim3A_23 : vector<16xf32> to vector<1x16xf32>
    tpu.vector_store %arg9[%swap3A_25, %swap3A_26], %swap3A_29 {strides = array<i32>} : memref<40x16xf32, #tpu.memory_space<vmem>>, vector<1x16xf32>,
    %broadcast_in_dim3A_30 = arith.constant 0.000000e+00 : f32
    %broadcast_in_dim3A_31 = vector.broadcast %broadcast_in_dim3A_30 : f32 to vector<16xf32>
    %swap3A_32 = arith.constant 4 : i32
    %swap3A_33 = arith.index_cast %swap3A_32 : i32 to index
    %swap3A_34 = arith.constant 0 : index
    %swap3A_35 = tpu.vector_load %arg9[%swap3A_33, %swap3A_34] {strides = array<i32>} : memref<40x16xf32, #tpu.memory_space<vmem>>, vector<1x16xf32>,
    %swap3A_36 = vector.shape_cast %swap3A_35 : vector<1x16xf32> to vector<16xf32>
    %swap3A_37 = vector.shape_cast %broadcast_in_dim3A_31 : vector<16xf32> to vector<1x16xf32>
    tpu.vector_store %arg9[%swap3A_33, %swap3A_34], %swap3A_37 {strides = array<i32>} : memref<40x16xf32, #tpu.memory_space<vmem>>, vector<1x16xf32>,
    %broadcast_in_dim3A_38 = arith.constant 0.000000e+00 : f32
    %broadcast_in_dim3A_39 = vector.broadcast %broadcast_in_dim3A_38 : f32 to vector<16xf32>
    %swap3A_40 = arith.constant 5 : i32
    %swap3A_41 = arith.index_cast %swap3A_40 : i32 to index
    %swap3A_42 = arith.constant 0 : index
    %swap3A_43 = tpu.vector_load %arg9[%swap3A_41, %swap3A_42] {strides = array<i32>} : memref<40x16xf32, #tpu.memory_space<vmem>>, vector<1x16xf32>,
    %swap3A_44 = vector.shape_cast %swap3A_43 : vector<1x16xf32> to vector<16xf32>
    %swap3A_45 = vector.shape_cast %broadcast_in_dim3A_39 : vector<16xf32> to vector<1x16xf32>
    tpu.vector_store %arg9[%swap3A_41, %swap3A_42], %swap3A_45 {strides = array<i32>} : memref<40x16xf32, #tpu.memory_space<vmem>>, vector<1x16xf32>,
    %broadcast_in_dim3A_46 = arith.constant 0.000000e+00 : f32
    %broadcast_in_dim3A_47 = vector.broadcast %broadcast_in_dim3A_46 : f32 to vector<16xf32>
    %swap3A_48 = arith.constant 6 : i32
    %swap3A_49 = arith.index_cast %swap3A_48 : i32 to index
    %swap3A_50 = arith.constant 0 : index
    %swap3A_51 = tpu.vector_load %arg9[%swap3A_49, %swap3A_50] {strides = array<i32>} : memref<40x16xf32, #tpu.memory_space<vmem>>, vector<1x16xf32>,
    %swap3A_52 = vector.shape_cast %swap3A_51 : vector<1x16xf32> to vector<16xf32>
    %swap3A_53 = vector.shape_cast %broadcast_in_dim3A_47 : vector<16xf32> to vector<1x16xf32>
    tpu.vector_store %arg9[%swap3A_49, %swap3A_50], %swap3A_53 {strides = array<i32>} : memref<40x16xf32, #tpu.memory_space<vmem>>, vector<1x16xf32>,
    %broadcast_in_dim3A_54 = arith.constant 0.000000e+00 : f32
    %broadcast_in_dim3A_55 = vector.broadcast %broadcast_in_dim3A_54 : f32 to vector<16xf32>
    %swap3A_56 = arith.constant 7 : i32
    %swap3A_57 = arith.index_cast %swap3A_56 : i32 to index
    %swap3A_58 = arith.constant 0 : index
    %swap3A_59 = tpu.vector_load %arg9[%swap3A_57, %swap3A_58] {strides = array<i32>} : memref<40x16xf32, #tpu.memory_space<vmem>>, vector<1x16xf32>,
    %swap3A_60 = vector.shape_cast %swap3A_59 : vector<1x16xf32> to vector<16xf32>
    %swap3A_61 = vector.shape_cast %broadcast_in_dim3A_55 : vector<16xf32> to vector<1x16xf32>
    tpu.vector_store %arg9[%swap3A_57, %swap3A_58], %swap3A_61 {strides = array<i32>} : memref<40x16xf32, #tpu.memory_space<vmem>>, vector<1x16xf32>,
    %broadcast_in_dim3A_62 = arith.constant 0.000000e+00 : f32
    %broadcast_in_dim3A_63 = vector.broadcast %broadcast_in_dim3A_62 : f32 to vector<16xf32>
    %swap3A_64 = arith.constant 8 : i32
    %swap3A_65 = arith.index_cast %swap3A_64 : i32 to index
    %swap3A_66 = arith.constant 0 : index
    %swap3A_67 = tpu.vector_load %arg9[%swap3A_65, %swap3A_66] {strides = array<i32>} : memref<40x16xf32, #tpu.memory_space<vmem>>, vector<1x16xf32>,
    %swap3A_68 = vector.shape_cast %swap3A_67 : vector<1x16xf32> to vector<16xf32>
    %swap3A_69 = vector.shape_cast %broadcast_in_dim3A_63 : vector<16xf32> to vector<1x16xf32>
    tpu.vector_store %arg9[%swap3A_65, %swap3A_66], %swap3A_69 {strides = array<i32>} : memref<40x16xf32, #tpu.memory_space<vmem>>, vector<1x16xf32>,
    %broadcast_in_dim3A_70 = arith.constant 0.000000e+00 : f32
    %broadcast_in_dim3A_71 = vector.broadcast %broadcast_in_dim3A_70 : f32 to vector<16xf32>
    %swap3A_72 = arith.constant 9 : i32
    %swap3A_73 = arith.index_cast %swap3A_72 : i32 to index
    %swap3A_74 = arith.constant 0 : index
    %swap3A_75 = tpu.vector_load %arg9[%swap3A_73, %swap3A_74] {strides = array<i32>} : memref<40x16xf32, #tpu.memory_space<vmem>>, vector<1x16xf32>,
    %swap3A_76 = vector.shape_cast %swap3A_75 : vector<1x16xf32> to vector<16xf32>
    %swap3A_77 = vector.shape_cast %broadcast_in_dim3A_71 : vector<16xf32> to vector<1x16xf32>
    tpu.vector_store %arg9[%swap3A_73, %swap3A_74], %swap3A_77 {strides = array<i32>} : memref<40x16xf32, #tpu.memory_space<vmem>>, vector<1x16xf32>,
    %broadcast_in_dim3A_78 = arith.constant 0.000000e+00 : f32
    %broadcast_in_dim3A_79 = vector.broadcast %broadcast_in_dim3A_78 : f32 to vector<16xf32>
    %swap3A_80 = arith.constant 10 : i32
    %swap3A_81 = arith.index_cast %swap3A_80 : i32 to index
    %swap3A_82 = arith.constant 0 : index
    %swap3A_83 = tpu.vector_load %arg9[%swap3A_81, %swap3A_82] {strides = array<i32>} : memref<40x16xf32, #tpu.memory_space<vmem>>, vector<1x16xf32>,
    %swap3A_84 = vector.shape_cast %swap3A_83 : vector<1x16xf32> to vector<16xf32>
    %swap3A_85 = vector.shape_cast %broadcast_in_dim3A_79 : vector<16xf32> to vector<1x16xf32>
    tpu.vector_store %arg9[%swap3A_81, %swap3A_82], %swap3A_85 {strides = array<i32>} : memref<40x16xf32, #tpu.memory_space<vmem>>, vector<1x16xf32>,
    %broadcast_in_dim3A_86 = arith.constant 0.000000e+00 : f32
    %broadcast_in_dim3A_87 = vector.broadcast %broadcast_in_dim3A_86 : f32 to vector<16xf32>
    %swap3A_88 = arith.constant 11 : i32
    %swap3A_89 = arith.index_cast %swap3A_88 : i32 to index
    %swap3A_90 = arith.constant 0 : index
    %swap3A_91 = tpu.vector_load %arg9[%swap3A_89, %swap3A_90] {strides = array<i32>} : memref<40x16xf32, #tpu.memory_space<vmem>>, vector<1x16xf32>,
    %swap3A_92 = vector.shape_cast %swap3A_91 : vector<1x16xf32> to vector<16xf32>
    %swap3A_93 = vector.shape_cast %broadcast_in_dim3A_87 : vector<16xf32> to vector<1x16xf32>
    tpu.vector_store %arg9[%swap3A_89, %swap3A_90], %swap3A_93 {strides = array<i32>} : memref<40x16xf32, #tpu.memory_space<vmem>>, vector<1x16xf32>,
    %broadcast_in_dim3A_94 = arith.constant 0.000000e+00 : f32
    %broadcast_in_dim3A_95 = vector.broadcast %broadcast_in_dim3A_94 : f32 to vector<16xf32>
    %swap3A_96 = arith.constant 12 : i32
    %swap3A_97 = arith.index_cast %swap3A_96 : i32 to index
    %swap3A_98 = arith.constant 0 : index
    %swap3A_99 = tpu.vector_load %arg9[%swap3A_97, %swap3A_98] {strides = array<i32>} : memref<40x16xf32, #tpu.memory_space<vmem>>, vector<1x16xf32>,
    %swap3A_100 = vector.shape_cast %swap3A_99 : vector<1x16xf32> to vector<16xf32>
    %swap3A_101 = vector.shape_cast %broadcast_in_dim3A_95 : vector<16xf32> to vector<1x16xf32>
    tpu.vector_store %arg9[%swap3A_97, %swap3A_98], %swap3A_101 {strides = array<i32>} : memref<40x16xf32, #tpu.memory_space<vmem>>, vector<1x16xf32>,
    %broadcast_in_dim3A_102 = arith.constant 0.000000e+00 : f32
    %broadcast_in_dim3A_103 = vector.broadcast %broadcast_in_dim3A_102 : f32 to vector<16xf32>
    %swap3A_104 = arith.constant 13 : i32
    %swap3A_105 = arith.index_cast %swap3A_104 : i32 to index
    %swap3A_106 = arith.constant 0 : index
    %swap3A_107 = tpu.vector_load %arg9[%swap3A_105, %swap3A_106] {strides = array<i32>} : memref<40x16xf32, #tpu.memory_space<vmem>>, vector<1x16xf32>,
    %swap3A_108 = vector.shape_cast %swap3A_107 : vector<1x16xf32> to vector<16xf32>
    %swap3A_109 = vector.shape_cast %broadcast_in_dim3A_103 : vector<16xf32> to vector<1x16xf32>
    tpu.vector_store %arg9[%swap3A_105, %swap3A_106], %swap3A_109 {strides = array<i32>} : memref<40x16xf32, #tpu.memory_space<vmem>>, vector<1x16xf32>,
    %broadcast_in_dim3A_110 = arith.constant 0.000000e+00 : f32
    %broadcast_in_dim3A_111 = vector.broadcast %broadcast_in_dim3A_110 : f32 to vector<16xf32>
    %swap3A_112 = arith.constant 14 : i32
    %swap3A_113 = arith.index_cast %swap3A_112 : i32 to index
    %swap3A_114 = arith.constant 0 : index
    %swap3A_115 = tpu.vector_load %arg9[%swap3A_113, %swap3A_114] {strides = array<i32>} : memref<40x16xf32, #tpu.memory_space<vmem>>, vector<1x16xf32>,
    %swap3A_116 = vector.shape_cast %swap3A_115 : vector<1x16xf32> to vector<16xf32>
    %swap3A_117 = vector.shape_cast %broadcast_in_dim3A_111 : vector<16xf32> to vector<1x16xf32>
    tpu.vector_store %arg9[%swap3A_113, %swap3A_114], %swap3A_117 {strides = array<i32>} : memref<40x16xf32, #tpu.memory_space<vmem>>, vector<1x16xf32>,
    %broadcast_in_dim3A_118 = arith.constant 0.000000e+00 : f32
    %broadcast_in_dim3A_119 = vector.broadcast %broadcast_in_dim3A_118 : f32 to vector<16xf32>
    %swap3A_120 = arith.constant 15 : i32
    %swap3A_121 = arith.index_cast %swap3A_120 : i32 to index
    %swap3A_122 = arith.constant 0 : index
    %swap3A_123 = tpu.vector_load %arg9[%swap3A_121, %swap3A_122] {strides = array<i32>} : memref<40x16xf32, #tpu.memory_space<vmem>>, vector<1x16xf32>,
    %swap3A_124 = vector.shape_cast %swap3A_123 : vector<1x16xf32> to vector<16xf32>
    %swap3A_125 = vector.shape_cast %broadcast_in_dim3A_119 : vector<16xf32> to vector<1x16xf32>
    tpu.vector_store %arg9[%swap3A_121, %swap3A_122], %swap3A_125 {strides = array<i32>} : memref<40x16xf32, #tpu.memory_space<vmem>>, vector<1x16xf32>,
    %broadcast_in_dim3A_126 = arith.constant 0.000000e+00 : f32
    %broadcast_in_dim3A_127 = vector.broadcast %broadcast_in_dim3A_126 : f32 to vector<16xf32>
    %swap3A_128 = arith.constant 16 : i32
    %swap3A_129 = arith.index_cast %swap3A_128 : i32 to index
    %swap3A_130 = arith.constant 0 : index
    %swap3A_131 = tpu.vector_load %arg9[%swap3A_129, %swap3A_130] {strides = array<i32>} : memref<40x16xf32, #tpu.memory_space<vmem>>, vector<1x16xf32>,
    %swap3A_132 = vector.shape_cast %swap3A_131 : vector<1x16xf32> to vector<16xf32>
    %swap3A_133 = vector.shape_cast %broadcast_in_dim3A_127 : vector<16xf32> to vector<1x16xf32>
    tpu.vector_store %arg9[%swap3A_129, %swap3A_130], %swap3A_133 {strides = array<i32>} : memref<40x16xf32, #tpu.memory_space<vmem>>, vector<1x16xf32>,
    %broadcast_in_dim3A_134 = arith.constant 0.000000e+00 : f32
    %broadcast_in_dim3A_135 = vector.broadcast %broadcast_in_dim3A_134 : f32 to vector<16xf32>
    %swap3A_136 = arith.constant 17 : i32
    %swap3A_137 = arith.index_cast %swap3A_136 : i32 to index
    %swap3A_138 = arith.constant 0 : index
    %swap3A_139 = tpu.vector_load %arg9[%swap3A_137, %swap3A_138] {strides = array<i32>} : memref<40x16xf32, #tpu.memory_space<vmem>>, vector<1x16xf32>,
    %swap3A_140 = vector.shape_cast %swap3A_139 : vector<1x16xf32> to vector<16xf32>
    %swap3A_141 = vector.shape_cast %broadcast_in_dim3A_135 : vector<16xf32> to vector<1x16xf32>
    tpu.vector_store %arg9[%swap3A_137, %swap3A_138], %swap3A_141 {strides = array<i32>} : memref<40x16xf32, #tpu.memory_space<vmem>>, vector<1x16xf32>,
    %broadcast_in_dim3A_142 = arith.constant 0.000000e+00 : f32
    %broadcast_in_dim3A_143 = vector.broadcast %broadcast_in_dim3A_142 : f32 to vector<16xf32>
    %swap3A_144 = arith.constant 18 : i32
    %swap3A_145 = arith.index_cast %swap3A_144 : i32 to index
    %swap3A_146 = arith.constant 0 : index
    %swap3A_147 = tpu.vector_load %arg9[%swap3A_145, %swap3A_146] {strides = array<i32>} : memref<40x16xf32, #tpu.memory_space<vmem>>, vector<1x16xf32>,
    %swap3A_148 = vector.shape_cast %swap3A_147 : vector<1x16xf32> to vector<16xf32>
    %swap3A_149 = vector.shape_cast %broadcast_in_dim3A_143 : vector<16xf32> to vector<1x16xf32>
    tpu.vector_store %arg9[%swap3A_145, %swap3A_146], %swap3A_149 {strides = array<i32>} : memref<40x16xf32, #tpu.memory_space<vmem>>, vector<1x16xf32>,
    %broadcast_in_dim3A_150 = arith.constant 0.000000e+00 : f32
    %broadcast_in_dim3A_151 = vector.broadcast %broadcast_in_dim3A_150 : f32 to vector<16xf32>
    %swap3A_152 = arith.constant 19 : i32
    %swap3A_153 = arith.index_cast %swap3A_152 : i32 to index
    %swap3A_154 = arith.constant 0 : index
    %swap3A_155 = tpu.vector_load %arg9[%swap3A_153, %swap3A_154] {strides = array<i32>} : memref<40x16xf32, #tpu.memory_space<vmem>>, vector<1x16xf32>,
    %swap3A_156 = vector.shape_cast %swap3A_155 : vector<1x16xf32> to vector<16xf32>
    %swap3A_157 = vector.shape_cast %broadcast_in_dim3A_151 : vector<16xf32> to vector<1x16xf32>
    tpu.vector_store %arg9[%swap3A_153, %swap3A_154], %swap3A_157 {strides = array<i32>} : memref<40x16xf32, #tpu.memory_space<vmem>>, vector<1x16xf32>,
    %broadcast_in_dim3A_158 = arith.constant 0.000000e+00 : f32
    %broadcast_in_dim3A_159 = vector.broadcast %broadcast_in_dim3A_158 : f32 to vector<16xf32>
    %swap3A_160 = arith.constant 20 : i32
    %swap3A_161 = arith.index_cast %swap3A_160 : i32 to index
    %swap3A_162 = arith.constant 0 : index
    %swap3A_163 = tpu.vector_load %arg9[%swap3A_161, %swap3A_162] {strides = array<i32>} : memref<40x16xf32, #tpu.memory_space<vmem>>, vector<1x16xf32>,
    %swap3A_164 = vector.shape_cast %swap3A_163 : vector<1x16xf32> to vector<16xf32>
    %swap3A_165 = vector.shape_cast %broadcast_in_dim3A_159 : vector<16xf32> to vector<1x16xf32>
    tpu.vector_store %arg9[%swap3A_161, %swap3A_162], %swap3A_165 {strides = array<i32>} : memref<40x16xf32, #tpu.memory_space<vmem>>, vector<1x16xf32>,
    %broadcast_in_dim3A_166 = arith.constant 0.000000e+00 : f32
    %broadcast_in_dim3A_167 = vector.broadcast %broadcast_in_dim3A_166 : f32 to vector<16xf32>
    %swap3A_168 = arith.constant 21 : i32
    %swap3A_169 = arith.index_cast %swap3A_168 : i32 to index
    %swap3A_170 = arith.constant 0 : index
    %swap3A_171 = tpu.vector_load %arg9[%swap3A_169, %swap3A_170] {strides = array<i32>} : memref<40x16xf32, #tpu.memory_space<vmem>>, vector<1x16xf32>,
    %swap3A_172 = vector.shape_cast %swap3A_171 : vector<1x16xf32> to vector<16xf32>
    %swap3A_173 = vector.shape_cast %broadcast_in_dim3A_167 : vector<16xf32> to vector<1x16xf32>
    tpu.vector_store %arg9[%swap3A_169, %swap3A_170], %swap3A_173 {strides = array<i32>} : memref<40x16xf32, #tpu.memory_space<vmem>>, vector<1x16xf32>,
    %broadcast_in_dim3A_174 = arith.constant 0.000000e+00 : f32
    %broadcast_in_dim3A_175 = vector.broadcast %broadcast_in_dim3A_174 : f32 to vector<16xf32>
    %swap3A_176 = arith.constant 22 : i32
    %swap3A_177 = arith.index_cast %swap3A_176 : i32 to index
    %swap3A_178 = arith.constant 0 : index
    %swap3A_179 = tpu.vector_load %arg9[%swap3A_177, %swap3A_178] {strides = array<i32>} : memref<40x16xf32, #tpu.memory_space<vmem>>, vector<1x16xf32>,
    %swap3A_180 = vector.shape_cast %swap3A_179 : vector<1x16xf32> to vector<16xf32>
    %swap3A_181 = vector.shape_cast %broadcast_in_dim3A_175 : vector<16xf32> to vector<1x16xf32>
    tpu.vector_store %arg9[%swap3A_177, %swap3A_178], %swap3A_181 {strides = array<i32>} : memref<40x16xf32, #tpu.memory_space<vmem>>, vector<1x16xf32>,
    %broadcast_in_dim3A_182 = arith.constant 0.000000e+00 : f32
    %broadcast_in_dim3A_183 = vector.broadcast %broadcast_in_dim3A_182 : f32 to vector<16xf32>
    %swap3A_184 = arith.constant 23 : i32
    %swap3A_185 = arith.index_cast %swap3A_184 : i32 to index
    %swap3A_186 = arith.constant 0 : index
    %swap3A_187 = tpu.vector_load %arg9[%swap3A_185, %swap3A_186] {strides = array<i32>} : memref<40x16xf32, #tpu.memory_space<vmem>>, vector<1x16xf32>,
    %swap3A_188 = vector.shape_cast %swap3A_187 : vector<1x16xf32> to vector<16xf32>
    %swap3A_189 = vector.shape_cast %broadcast_in_dim3A_183 : vector<16xf32> to vector<1x16xf32>
    tpu.vector_store %arg9[%swap3A_185, %swap3A_186], %swap3A_189 {strides = array<i32>} : memref<40x16xf32, #tpu.memory_space<vmem>>, vector<1x16xf32>,
    %broadcast_in_dim3A_190 = arith.constant 0.000000e+00 : f32
    %broadcast_in_dim3A_191 = vector.broadcast %broadcast_in_dim3A_190 : f32 to vector<16xf32>
    %swap3A_192 = arith.constant 24 : i32
    %swap3A_193 = arith.index_cast %swap3A_192 : i32 to index
    %swap3A_194 = arith.constant 0 : index
    %swap3A_195 = tpu.vector_load %arg9[%swap3A_193, %swap3A_194] {strides = array<i32>} : memref<40x16xf32, #tpu.memory_space<vmem>>, vector<1x16xf32>,
    %swap3A_196 = vector.shape_cast %swap3A_195 : vector<1x16xf32> to vector<16xf32>
    %swap3A_197 = vector.shape_cast %broadcast_in_dim3A_191 : vector<16xf32> to vector<1x16xf32>
    tpu.vector_store %arg9[%swap3A_193, %swap3A_194], %swap3A_197 {strides = array<i32>} : memref<40x16xf32, #tpu.memory_space<vmem>>, vector<1x16xf32>,
    %broadcast_in_dim3A_198 = arith.constant 0.000000e+00 : f32
    %broadcast_in_dim3A_199 = vector.broadcast %broadcast_in_dim3A_198 : f32 to vector<16xf32>
    %swap3A_200 = arith.constant 25 : i32
    %swap3A_201 = arith.index_cast %swap3A_200 : i32 to index
    %swap3A_202 = arith.constant 0 : index
    %swap3A_203 = tpu.vector_load %arg9[%swap3A_201, %swap3A_202] {strides = array<i32>} : memref<40x16xf32, #tpu.memory_space<vmem>>, vector<1x16xf32>,
    %swap3A_204 = vector.shape_cast %swap3A_203 : vector<1x16xf32> to vector<16xf32>
    %swap3A_205 = vector.shape_cast %broadcast_in_dim3A_199 : vector<16xf32> to vector<1x16xf32>
    tpu.vector_store %arg9[%swap3A_201, %swap3A_202], %swap3A_205 {strides = array<i32>} : memref<40x16xf32, #tpu.memory_space<vmem>>, vector<1x16xf32>,
    %broadcast_in_dim3A_206 = arith.constant 0.000000e+00 : f32
    %broadcast_in_dim3A_207 = vector.broadcast %broadcast_in_dim3A_206 : f32 to vector<16xf32>
    %swap3A_208 = arith.constant 26 : i32
    %swap3A_209 = arith.index_cast %swap3A_208 : i32 to index
    %swap3A_210 = arith.constant 0 : index
    %swap3A_211 = tpu.vector_load %arg9[%swap3A_209, %swap3A_210] {strides = array<i32>} : memref<40x16xf32, #tpu.memory_space<vmem>>, vector<1x16xf32>,
    %swap3A_212 = vector.shape_cast %swap3A_211 : vector<1x16xf32> to vector<16xf32>
    %swap3A_213 = vector.shape_cast %broadcast_in_dim3A_207 : vector<16xf32> to vector<1x16xf32>
    tpu.vector_store %arg9[%swap3A_209, %swap3A_210], %swap3A_213 {strides = array<i32>} : memref<40x16xf32, #tpu.memory_space<vmem>>, vector<1x16xf32>,
    %broadcast_in_dim3A_214 = arith.constant 0.000000e+00 : f32
    %broadcast_in_dim3A_215 = vector.broadcast %broadcast_in_dim3A_214 : f32 to vector<16xf32>
    %swap3A_216 = arith.constant 27 : i32
    %swap3A_217 = arith.index_cast %swap3A_216 : i32 to index
    %swap3A_218 = arith.constant 0 : index
    %swap3A_219 = tpu.vector_load %arg9[%swap3A_217, %swap3A_218] {strides = array<i32>} : memref<40x16xf32, #tpu.memory_space<vmem>>, vector<1x16xf32>,
    %swap3A_220 = vector.shape_cast %swap3A_219 : vector<1x16xf32> to vector<16xf32>
    %swap3A_221 = vector.shape_cast %broadcast_in_dim3A_215 : vector<16xf32> to vector<1x16xf32>
    tpu.vector_store %arg9[%swap3A_217, %swap3A_218], %swap3A_221 {strides = array<i32>} : memref<40x16xf32, #tpu.memory_space<vmem>>, vector<1x16xf32>,
    %broadcast_in_dim3A_222 = arith.constant 0.000000e+00 : f32
    %broadcast_in_dim3A_223 = vector.broadcast %broadcast_in_dim3A_222 : f32 to vector<16xf32>
    %swap3A_224 = arith.constant 28 : i32
    %swap3A_225 = arith.index_cast %swap3A_224 : i32 to index
    %swap3A_226 = arith.constant 0 : index
    %swap3A_227 = tpu.vector_load %arg9[%swap3A_225, %swap3A_226] {strides = array<i32>} : memref<40x16xf32, #tpu.memory_space<vmem>>, vector<1x16xf32>,
    %swap3A_228 = vector.shape_cast %swap3A_227 : vector<1x16xf32> to vector<16xf32>
    %swap3A_229 = vector.shape_cast %broadcast_in_dim3A_223 : vector<16xf32> to vector<1x16xf32>
    tpu.vector_store %arg9[%swap3A_225, %swap3A_226], %swap3A_229 {strides = array<i32>} : memref<40x16xf32, #tpu.memory_space<vmem>>, vector<1x16xf32>,
    %broadcast_in_dim3A_230 = arith.constant 0.000000e+00 : f32
    %broadcast_in_dim3A_231 = vector.broadcast %broadcast_in_dim3A_230 : f32 to vector<16xf32>
    %swap3A_232 = arith.constant 29 : i32
    %swap3A_233 = arith.index_cast %swap3A_232 : i32 to index
    %swap3A_234 = arith.constant 0 : index
    %swap3A_235 = tpu.vector_load %arg9[%swap3A_233, %swap3A_234] {strides = array<i32>} : memref<40x16xf32, #tpu.memory_space<vmem>>, vector<1x16xf32>,
    %swap3A_236 = vector.shape_cast %swap3A_235 : vector<1x16xf32> to vector<16xf32>
    %swap3A_237 = vector.shape_cast %broadcast_in_dim3A_231 : vector<16xf32> to vector<1x16xf32>
    tpu.vector_store %arg9[%swap3A_233, %swap3A_234], %swap3A_237 {strides = array<i32>} : memref<40x16xf32, #tpu.memory_space<vmem>>, vector<1x16xf32>,
    %broadcast_in_dim3A_238 = arith.constant 0.000000e+00 : f32
    %broadcast_in_dim3A_239 = vector.broadcast %broadcast_in_dim3A_238 : f32 to vector<16xf32>
    %swap3A_240 = arith.constant 30 : i32
    %swap3A_241 = arith.index_cast %swap3A_240 : i32 to index
    %swap3A_242 = arith.constant 0 : index
    %swap3A_243 = tpu.vector_load %arg9[%swap3A_241, %swap3A_242] {strides = array<i32>} : memref<40x16xf32, #tpu.memory_space<vmem>>, vector<1x16xf32>,
    %swap3A_244 = vector.shape_cast %swap3A_243 : vector<1x16xf32> to vector<16xf32>
    %swap3A_245 = vector.shape_cast %broadcast_in_dim3A_239 : vector<16xf32> to vector<1x16xf32>
    tpu.vector_store %arg9[%swap3A_241, %swap3A_242], %swap3A_245 {strides = array<i32>} : memref<40x16xf32, #tpu.memory_space<vmem>>, vector<1x16xf32>,
    %broadcast_in_dim3A_246 = arith.constant 0.000000e+00 : f32
    %broadcast_in_dim3A_247 = vector.broadcast %broadcast_in_dim3A_246 : f32 to vector<16xf32>
    %swap3A_248 = arith.constant 31 : i32
    %swap3A_249 = arith.index_cast %swap3A_248 : i32 to index
    %swap3A_250 = arith.constant 0 : index
    %swap3A_251 = tpu.vector_load %arg9[%swap3A_249, %swap3A_250] {strides = array<i32>} : memref<40x16xf32, #tpu.memory_space<vmem>>, vector<1x16xf32>,
    %swap3A_252 = vector.shape_cast %swap3A_251 : vector<1x16xf32> to vector<16xf32>
    %swap3A_253 = vector.shape_cast %broadcast_in_dim3A_247 : vector<16xf32> to vector<1x16xf32>
    tpu.vector_store %arg9[%swap3A_249, %swap3A_250], %swap3A_253 {strides = array<i32>} : memref<40x16xf32, #tpu.memory_space<vmem>>, vector<1x16xf32>,
    %broadcast_in_dim3A_254 = arith.constant 0.000000e+00 : f32
    %broadcast_in_dim3A_255 = vector.broadcast %broadcast_in_dim3A_254 : f32 to vector<16xf32>
    %swap3A_256 = arith.constant 32 : i32
    %swap3A_257 = arith.index_cast %swap3A_256 : i32 to index
    %swap3A_258 = arith.constant 0 : index
    %swap3A_259 = tpu.vector_load %arg9[%swap3A_257, %swap3A_258] {strides = array<i32>} : memref<40x16xf32, #tpu.memory_space<vmem>>, vector<1x16xf32>,
    %swap3A_260 = vector.shape_cast %swap3A_259 : vector<1x16xf32> to vector<16xf32>
    %swap3A_261 = vector.shape_cast %broadcast_in_dim3A_255 : vector<16xf32> to vector<1x16xf32>
    tpu.vector_store %arg9[%swap3A_257, %swap3A_258], %swap3A_261 {strides = array<i32>} : memref<40x16xf32, #tpu.memory_space<vmem>>, vector<1x16xf32>,
    %broadcast_in_dim3A_262 = arith.constant 0.000000e+00 : f32
    %broadcast_in_dim3A_263 = vector.broadcast %broadcast_in_dim3A_262 : f32 to vector<16xf32>
    %swap3A_264 = arith.constant 33 : i32
    %swap3A_265 = arith.index_cast %swap3A_264 : i32 to index
    %swap3A_266 = arith.constant 0 : index
    %swap3A_267 = tpu.vector_load %arg9[%swap3A_265, %swap3A_266] {strides = array<i32>} : memref<40x16xf32, #tpu.memory_space<vmem>>, vector<1x16xf32>,
    %swap3A_268 = vector.shape_cast %swap3A_267 : vector<1x16xf32> to vector<16xf32>
    %swap3A_269 = vector.shape_cast %broadcast_in_dim3A_263 : vector<16xf32> to vector<1x16xf32>
    tpu.vector_store %arg9[%swap3A_265, %swap3A_266], %swap3A_269 {strides = array<i32>} : memref<40x16xf32, #tpu.memory_space<vmem>>, vector<1x16xf32>,
    %broadcast_in_dim3A_270 = arith.constant 0.000000e+00 : f32
    %broadcast_in_dim3A_271 = vector.broadcast %broadcast_in_dim3A_270 : f32 to vector<16xf32>
    %swap3A_272 = arith.constant 34 : i32
    %swap3A_273 = arith.index_cast %swap3A_272 : i32 to index
    %swap3A_274 = arith.constant 0 : index
    %swap3A_275 = tpu.vector_load %arg9[%swap3A_273, %swap3A_274] {strides = array<i32>} : memref<40x16xf32, #tpu.memory_space<vmem>>, vector<1x16xf32>,
    %swap3A_276 = vector.shape_cast %swap3A_275 : vector<1x16xf32> to vector<16xf32>
    %swap3A_277 = vector.shape_cast %broadcast_in_dim3A_271 : vector<16xf32> to vector<1x16xf32>
    tpu.vector_store %arg9[%swap3A_273, %swap3A_274], %swap3A_277 {strides = array<i32>} : memref<40x16xf32, #tpu.memory_space<vmem>>, vector<1x16xf32>,
    %broadcast_in_dim3A_278 = arith.constant 0.000000e+00 : f32
    %broadcast_in_dim3A_279 = vector.broadcast %broadcast_in_dim3A_278 : f32 to vector<16xf32>
    %swap3A_280 = arith.constant 35 : i32
    %swap3A_281 = arith.index_cast %swap3A_280 : i32 to index
    %swap3A_282 = arith.constant 0 : index
    %swap3A_283 = tpu.vector_load %arg9[%swap3A_281, %swap3A_282] {strides = array<i32>} : memref<40x16xf32, #tpu.memory_space<vmem>>, vector<1x16xf32>,
    %swap3A_284 = vector.shape_cast %swap3A_283 : vector<1x16xf32> to vector<16xf32>
    %swap3A_285 = vector.shape_cast %broadcast_in_dim3A_279 : vector<16xf32> to vector<1x16xf32>
    tpu.vector_store %arg9[%swap3A_281, %swap3A_282], %swap3A_285 {strides = array<i32>} : memref<40x16xf32, #tpu.memory_space<vmem>>, vector<1x16xf32>,
    %broadcast_in_dim3A_286 = arith.constant 0.000000e+00 : f32
    %broadcast_in_dim3A_287 = vector.broadcast %broadcast_in_dim3A_286 : f32 to vector<16xf32>
    %swap3A_288 = arith.constant 36 : i32
    %swap3A_289 = arith.index_cast %swap3A_288 : i32 to index
    %swap3A_290 = arith.constant 0 : index
    %swap3A_291 = tpu.vector_load %arg9[%swap3A_289, %swap3A_290] {strides = array<i32>} : memref<40x16xf32, #tpu.memory_space<vmem>>, vector<1x16xf32>,
    %swap3A_292 = vector.shape_cast %swap3A_291 : vector<1x16xf32> to vector<16xf32>
    %swap3A_293 = vector.shape_cast %broadcast_in_dim3A_287 : vector<16xf32> to vector<1x16xf32>
    tpu.vector_store %arg9[%swap3A_289, %swap3A_290], %swap3A_293 {strides = array<i32>} : memref<40x16xf32, #tpu.memory_space<vmem>>, vector<1x16xf32>,
    %broadcast_in_dim3A_294 = arith.constant 0.000000e+00 : f32
    %broadcast_in_dim3A_295 = vector.broadcast %broadcast_in_dim3A_294 : f32 to vector<16xf32>
    %swap3A_296 = arith.constant 37 : i32
    %swap3A_297 = arith.index_cast %swap3A_296 : i32 to index
    %swap3A_298 = arith.constant 0 : index
    %swap3A_299 = tpu.vector_load %arg9[%swap3A_297, %swap3A_298] {strides = array<i32>} : memref<40x16xf32, #tpu.memory_space<vmem>>, vector<1x16xf32>,
    %swap3A_300 = vector.shape_cast %swap3A_299 : vector<1x16xf32> to vector<16xf32>
    %swap3A_301 = vector.shape_cast %broadcast_in_dim3A_295 : vector<16xf32> to vector<1x16xf32>
    tpu.vector_store %arg9[%swap3A_297, %swap3A_298], %swap3A_301 {strides = array<i32>} : memref<40x16xf32, #tpu.memory_space<vmem>>, vector<1x16xf32>,
    %broadcast_in_dim3A_302 = arith.constant 0.000000e+00 : f32
    %broadcast_in_dim3A_303 = vector.broadcast %broadcast_in_dim3A_302 : f32 to vector<16xf32>
    %swap3A_304 = arith.constant 38 : i32
    %swap3A_305 = arith.index_cast %swap3A_304 : i32 to index
    %swap3A_306 = arith.constant 0 : index
    %swap3A_307 = tpu.vector_load %arg9[%swap3A_305, %swap3A_306] {strides = array<i32>} : memref<40x16xf32, #tpu.memory_space<vmem>>, vector<1x16xf32>,
    %swap3A_308 = vector.shape_cast %swap3A_307 : vector<1x16xf32> to vector<16xf32>
    %swap3A_309 = vector.shape_cast %broadcast_in_dim3A_303 : vector<16xf32> to vector<1x16xf32>
    tpu.vector_store %arg9[%swap3A_305, %swap3A_306], %swap3A_309 {strides = array<i32>} : memref<40x16xf32, #tpu.memory_space<vmem>>, vector<1x16xf32>,
    %broadcast_in_dim3A_310 = arith.constant 0.000000e+00 : f32
    %broadcast_in_dim3A_311 = vector.broadcast %broadcast_in_dim3A_310 : f32 to vector<16xf32>
    %swap3A_312 = arith.constant 39 : i32
    %swap3A_313 = arith.index_cast %swap3A_312 : i32 to index
    %swap3A_314 = arith.constant 0 : index
    %swap3A_315 = tpu.vector_load %arg9[%swap3A_313, %swap3A_314] {strides = array<i32>} : memref<40x16xf32, #tpu.memory_space<vmem>>, vector<1x16xf32>,
    %swap3A_316 = vector.shape_cast %swap3A_315 : vector<1x16xf32> to vector<16xf32>
    %swap3A_317 = vector.shape_cast %broadcast_in_dim3A_311 : vector<16xf32> to vector<1x16xf32>
    tpu.vector_store %arg9[%swap3A_313, %swap3A_314], %swap3A_317 {strides = array<i32>} : memref<40x16xf32, #tpu.memory_space<vmem>>, vector<1x16xf32>,
    %eq3A = arith.constant 0 : i32
    %eq3A_318 = arith.cmpi eq, %arg0, %eq3A : i32
    %convert_element_type3A = arith.extui %eq3A_318 : i1 to i32
    %cond3A = arith.constant 0 : i32
    %cond3A_319 = arith.cmpi ne, %convert_element_type3A, %cond3A : i32
    scf.if %cond3A_319 {
      %mul3A = arith.constant 40 : i32
      %mul3A_331 = arith.muli %arg1, %mul3A : i32
      "tpu.region"() ({
        %run_scoped3A = tpu.sem_alloc : memref<!tpu.dma_semaphore, #tpu.memory_space<semaphore_mem>>
        %dma_start3A = arith.constant 0 : i32
        %dma_start3A_332 = tpu.memref_slice %arg11[%mul3A_331, %dma_start3A] : memref<640x16xf32, #tpu.memory_space<vmem_shared>> -> memref<40x16xf32, #tpu.memory_space<vmem_shared>>
        %dma_start3A_333 = arith.constant 0 : i32
        %dma_start3A_334 = tpu.memref_slice %arg11[%mul3A_331, %dma_start3A_333] : memref<640x16xf32, #tpu.memory_space<vmem_shared>> -> memref<40x16xf32, #tpu.memory_space<vmem_shared>>
        tpu.enqueue_dma source(%arg9 : memref<40x16xf32, #tpu.memory_space<vmem>>) target(%dma_start3A_334 : memref<40x16xf32, #tpu.memory_space<vmem_shared>>) target_semaphore(%run_scoped3A : memref<!tpu.dma_semaphore, #tpu.memory_space<semaphore_mem>>)
        %dma_wait3A = arith.constant 0 : i32
        %dma_wait3A_335 = tpu.memref_slice %arg11[%mul3A_331, %dma_wait3A] : memref<640x16xf32, #tpu.memory_space<vmem_shared>> -> memref<40x16xf32, #tpu.memory_space<vmem_shared>>
        %dma_wait3A_336 = arith.constant 0 : i32
        %dma_wait3A_337 = tpu.memref_slice %arg11[%mul3A_331, %dma_wait3A_336] : memref<640x16xf32, #tpu.memory_space<vmem_shared>> -> memref<40x16xf32, #tpu.memory_space<vmem_shared>>
        tpu.wait_dma2 semaphore(%run_scoped3A : memref<!tpu.dma_semaphore, #tpu.memory_space<semaphore_mem>>) src(%arg9 : memref<40x16xf32, #tpu.memory_space<vmem>>) dst(%dma_wait3A_337 : memref<40x16xf32, #tpu.memory_space<vmem_shared>>)
        tpu.yield
      }) : () -> ()
    } else {
    }
    %barrier3A = arith.constant 0 : index
    tpu.barrier barrier_id(%barrier3A)
    %eq3A_320 = arith.constant 0 : i32
    %eq3A_321 = arith.cmpi eq, %arg0, %eq3A_320 : i32
    %convert_element_type3A_322 = arith.extui %eq3A_321 : i1 to i32
    %cond3A_323 = arith.constant 0 : i32
    %cond3A_324 = arith.cmpi ne, %convert_element_type3A_322, %cond3A_323 : i32
    scf.if %cond3A_324 {
      %mul3A = arith.constant 6272 : i32
      %mul3A_331 = arith.muli %arg1, %mul3A : i32
      "tpu.region"() ({
        %run_scoped3A = tpu.sem_alloc : memref<!tpu.dma_semaphore, #tpu.memory_space<semaphore_mem>>
        %dma_start3A = tpu.memref_slice %arg3[%mul3A_331] : memref<100352xi32, #tpu.memory_space<hbm>> -> memref<6272xi32, #tpu.memory_space<hbm>>
        %dma_start3A_334 = tpu.memref_slice %arg3[%mul3A_331] : memref<100352xi32, #tpu.memory_space<hbm>> -> memref<6272xi32, #tpu.memory_space<hbm>>
        tpu.enqueue_dma source(%dma_start3A_334 : memref<6272xi32, #tpu.memory_space<hbm>>) target(%arg7 : memref<6272xi32, #tpu.memory_space<vmem>>) target_semaphore(%run_scoped3A : memref<!tpu.dma_semaphore, #tpu.memory_space<semaphore_mem>>)
        %dma_wait3A = tpu.memref_slice %arg3[%mul3A_331] : memref<100352xi32, #tpu.memory_space<hbm>> -> memref<6272xi32, #tpu.memory_space<hbm>>
        %dma_wait3A_335 = tpu.memref_slice %arg3[%mul3A_331] : memref<100352xi32, #tpu.memory_space<hbm>> -> memref<6272xi32, #tpu.memory_space<hbm>>
        tpu.wait_dma2 semaphore(%run_scoped3A : memref<!tpu.dma_semaphore, #tpu.memory_space<semaphore_mem>>) src(%dma_wait3A_335 : memref<6272xi32, #tpu.memory_space<hbm>>) dst(%arg7 : memref<6272xi32, #tpu.memory_space<vmem>>)
        tpu.yield
      }) : () -> ()
      %mul3A_332 = arith.constant 6272 : i32
      %mul3A_333 = arith.muli %arg1, %mul3A_332 : i32
      "tpu.region"() ({
        %run_scoped3A = tpu.sem_alloc : memref<!tpu.dma_semaphore, #tpu.memory_space<semaphore_mem>>
        %dma_start3A = arith.constant 0 : i32
        %dma_start3A_334 = tpu.memref_slice %arg2[%mul3A_333, %dma_start3A] : memref<100352x16xf32, #tpu.memory_space<hbm>> -> memref<6272x16xf32, #tpu.memory_space<hbm>>
        %dma_start3A_335 = arith.constant 0 : i32
        %dma_start3A_336 = tpu.memref_slice %arg2[%mul3A_333, %dma_start3A_335] : memref<100352x16xf32, #tpu.memory_space<hbm>> -> memref<6272x16xf32, #tpu.memory_space<hbm>>
        tpu.enqueue_dma source(%dma_start3A_336 : memref<6272x16xf32, #tpu.memory_space<hbm>>) target(%arg6 : memref<6272x16xf32, #tpu.memory_space<vmem>>) target_semaphore(%run_scoped3A : memref<!tpu.dma_semaphore, #tpu.memory_space<semaphore_mem>>)
        %dma_wait3A = arith.constant 0 : i32
        %dma_wait3A_337 = tpu.memref_slice %arg2[%mul3A_333, %dma_wait3A] : memref<100352x16xf32, #tpu.memory_space<hbm>> -> memref<6272x16xf32, #tpu.memory_space<hbm>>
        %dma_wait3A_338 = arith.constant 0 : i32
        %dma_wait3A_339 = tpu.memref_slice %arg2[%mul3A_333, %dma_wait3A_338] : memref<100352x16xf32, #tpu.memory_space<hbm>> -> memref<6272x16xf32, #tpu.memory_space<hbm>>
        tpu.wait_dma2 semaphore(%run_scoped3A : memref<!tpu.dma_semaphore, #tpu.memory_space<semaphore_mem>>) src(%dma_wait3A_339 : memref<6272x16xf32, #tpu.memory_space<hbm>>) dst(%arg6 : memref<6272x16xf32, #tpu.memory_space<vmem>>)
        tpu.yield
      }) : () -> ()
      "tpu.region"() ({
        %run_scoped3A = tpu.sem_alloc : memref<!tpu.dma_semaphore, #tpu.memory_space<semaphore_mem>>
        %dma_start3A = arith.constant 0 : i32
        %dma_start3A_334 = arith.constant 0 : i32
        %dma_start3A_335 = tpu.memref_slice %arg11[%dma_start3A, %dma_start3A_334] : memref<640x16xf32, #tpu.memory_space<vmem_shared>> -> memref<640x16xf32, #tpu.memory_space<vmem_shared>>
        tpu.enqueue_indirect_dma source(%arg6 : memref<6272x16xf32, #tpu.memory_space<vmem>>) target(%dma_start3A_335 : memref<640x16xf32, #tpu.memory_space<vmem_shared>>) offsets(%arg7 : memref<6272xi32, #tpu.memory_space<vmem>>) semaphore(%run_scoped3A : memref<!tpu.dma_semaphore, #tpu.memory_space<semaphore_mem>>) {add = true}
        %dma_wait3A = arith.constant 0 : i32
        %dma_wait3A_336 = arith.constant 0 : i32
        %dma_wait3A_337 = tpu.memref_slice %arg11[%dma_wait3A, %dma_wait3A_336] : memref<640x16xf32, #tpu.memory_space<vmem_shared>> -> memref<640x16xf32, #tpu.memory_space<vmem_shared>>
        tpu.wait_indirect_dma semaphore(%run_scoped3A : memref<!tpu.dma_semaphore, #tpu.memory_space<semaphore_mem>>) src(%arg6 : memref<6272x16xf32, #tpu.memory_space<vmem>>) dst(%dma_wait3A_337 : memref<640x16xf32, #tpu.memory_space<vmem_shared>>)
        tpu.yield
      }) : () -> ()
    } else {
    }
    %barrier3A_325 = arith.constant 0 : index
    tpu.barrier barrier_id(%barrier3A_325)
    %eq3A_326 = arith.constant 0 : i32
    %eq3A_327 = arith.cmpi eq, %arg0, %eq3A_326 : i32
    %convert_element_type3A_328 = arith.extui %eq3A_327 : i1 to i32
    %cond3A_329 = arith.constant 0 : i32
    %cond3A_330 = arith.cmpi ne, %convert_element_type3A_328, %cond3A_329 : i32
    scf.if %cond3A_330 {
      "tpu.region"() ({
        %run_scoped3A = tpu.sem_alloc : memref<!tpu.dma_semaphore, #tpu.memory_space<semaphore_mem>>
        tpu.enqueue_dma source(%arg4 : memref<16xf32, #tpu.memory_space<hbm>>) target(%arg10 : memref<16xf32, #tpu.memory_space<vmem>>) target_semaphore(%run_scoped3A : memref<!tpu.dma_semaphore, #tpu.memory_space<semaphore_mem>>)
        tpu.wait_dma2 semaphore(%run_scoped3A : memref<!tpu.dma_semaphore, #tpu.memory_space<semaphore_mem>>) src(%arg4 : memref<16xf32, #tpu.memory_space<hbm>>) dst(%arg10 : memref<16xf32, #tpu.memory_space<vmem>>)
        tpu.yield
      }) : () -> ()
      %mul3A = arith.constant 32 : i32
      %mul3A_331 = arith.muli %arg1, %mul3A : i32
      "tpu.region"() ({
        %run_scoped3A = tpu.sem_alloc : memref<!tpu.dma_semaphore, #tpu.memory_space<semaphore_mem>>
        %dma_start3A = arith.constant 0 : i32
        %dma_start3A_1164 = tpu.memref_slice %arg11[%mul3A_331, %dma_start3A] : memref<640x16xf32, #tpu.memory_space<vmem_shared>> -> memref<32x16xf32, #tpu.memory_space<vmem_shared>>
        %dma_start3A_1165 = arith.constant 0 : i32
        %dma_start3A_1166 = tpu.memref_slice %arg11[%mul3A_331, %dma_start3A_1165] : memref<640x16xf32, #tpu.memory_space<vmem_shared>> -> memref<32x16xf32, #tpu.memory_space<vmem_shared>>
        tpu.enqueue_dma source(%dma_start3A_1166 : memref<32x16xf32, #tpu.memory_space<vmem_shared>>) target(%arg8 : memref<32x16xf32, #tpu.memory_space<vmem>>) target_semaphore(%run_scoped3A : memref<!tpu.dma_semaphore, #tpu.memory_space<semaphore_mem>>)
        %dma_wait3A = arith.constant 0 : i32
        %dma_wait3A_1167 = tpu.memref_slice %arg11[%mul3A_331, %dma_wait3A] : memref<640x16xf32, #tpu.memory_space<vmem_shared>> -> memref<32x16xf32, #tpu.memory_space<vmem_shared>>
        %dma_wait3A_1168 = arith.constant 0 : i32
        %dma_wait3A_1169 = tpu.memref_slice %arg11[%mul3A_331, %dma_wait3A_1168] : memref<640x16xf32, #tpu.memory_space<vmem_shared>> -> memref<32x16xf32, #tpu.memory_space<vmem_shared>>
        tpu.wait_dma2 semaphore(%run_scoped3A : memref<!tpu.dma_semaphore, #tpu.memory_space<semaphore_mem>>) src(%dma_wait3A_1169 : memref<32x16xf32, #tpu.memory_space<vmem_shared>>) dst(%arg8 : memref<32x16xf32, #tpu.memory_space<vmem>>)
        tpu.yield
      }) : () -> ()
      %get3A = arith.constant 0 : index
      %get3A_332 = tpu.vector_load %arg10[%get3A] {strides = array<i32>} : memref<16xf32, #tpu.memory_space<vmem>>, vector<16xf32>,
      %get3A_333 = vector.shape_cast %get3A_332 : vector<16xf32> to vector<16xf32>
      %broadcast_in_dim3A_334 = arith.constant 10 : i32
      %broadcast_in_dim3A_335 = vector.broadcast %broadcast_in_dim3A_334 : i32 to vector<16xi32>
      %get3A_336 = arith.constant 0 : i32
      %get3A_337 = arith.index_cast %get3A_336 : i32 to index
      %get3A_338 = arith.constant 0 : index
      %get3A_339 = tpu.vector_load %arg8[%get3A_337, %get3A_338] {strides = array<i32>} : memref<32x16xf32, #tpu.memory_space<vmem>>, vector<1x16xf32>,
      %get3A_340 = vector.shape_cast %get3A_339 : vector<1x16xf32> to vector<16xf32>
      %lt3A = arith.constant 0 : i32
      %lt3A_341 = vector.broadcast %lt3A : i32 to vector<16xi32>
      %lt3A_342 = arith.cmpi slt, %broadcast_in_dim3A_335, %lt3A_341 : vector<16xi32>
      %add3A = arith.constant 16 : i32
      %add3A_343 = vector.broadcast %add3A : i32 to vector<16xi32>
      %add3A_344 = arith.addi %broadcast_in_dim3A_335, %add3A_343 : vector<16xi32>
      %select_n3A = arith.select %lt3A_342, %add3A_344, %broadcast_in_dim3A_335 : vector<16xi1>, vector<16xi32>
      %broadcast_in_dim3A_345 = vector.shape_cast %select_n3A : vector<16xi32> to vector<16x1xi32>
      %gather3A = vector.shape_cast %broadcast_in_dim3A_345 : vector<16x1xi32> to vector<16xi32>
      %gather3A_346 = tpu.dynamic_gather %get3A_340[%gather3A] in [0] : vector<16xf32>, vector<16xi32> -> vector<16xf32>
      %max3A = arith.constant 1.000000e+00 : f32
      %max3A_347 = vector.broadcast %max3A : f32 to vector<16xf32>
      %max3A_348 = arith.maximumf %gather3A_346, %max3A_347 : vector<16xf32>
      %div3A = arith.divf %get3A_340, %max3A_348 : vector<16xf32>
      %add3A_349 = arith.addf %div3A, %get3A_333 : vector<16xf32>
      %swap3A_350 = arith.constant 0 : i32
      %swap3A_351 = arith.index_cast %swap3A_350 : i32 to index
      %swap3A_352 = arith.constant 0 : index
      %swap3A_353 = tpu.vector_load %arg8[%swap3A_351, %swap3A_352] {strides = array<i32>} : memref<32x16xf32, #tpu.memory_space<vmem>>, vector<1x16xf32>,
      %swap3A_354 = vector.shape_cast %swap3A_353 : vector<1x16xf32> to vector<16xf32>
      %swap3A_355 = vector.shape_cast %add3A_349 : vector<16xf32> to vector<1x16xf32>
      tpu.vector_store %arg8[%swap3A_351, %swap3A_352], %swap3A_355 {strides = array<i32>} : memref<32x16xf32, #tpu.memory_space<vmem>>, vector<1x16xf32>,
      %get3A_356 = arith.constant 1 : i32
      %get3A_357 = arith.index_cast %get3A_356 : i32 to index
      %get3A_358 = arith.constant 0 : index
      %get3A_359 = tpu.vector_load %arg8[%get3A_357, %get3A_358] {strides = array<i32>} : memref<32x16xf32, #tpu.memory_space<vmem>>, vector<1x16xf32>,
      %get3A_360 = vector.shape_cast %get3A_359 : vector<1x16xf32> to vector<16xf32>
      %lt3A_361 = arith.constant 0 : i32
      %lt3A_362 = vector.broadcast %lt3A_361 : i32 to vector<16xi32>
      %lt3A_363 = arith.cmpi slt, %broadcast_in_dim3A_335, %lt3A_362 : vector<16xi32>
      %add3A_364 = arith.constant 16 : i32
      %add3A_365 = vector.broadcast %add3A_364 : i32 to vector<16xi32>
      %add3A_366 = arith.addi %broadcast_in_dim3A_335, %add3A_365 : vector<16xi32>
      %select_n3A_367 = arith.select %lt3A_363, %add3A_366, %broadcast_in_dim3A_335 : vector<16xi1>, vector<16xi32>
      %broadcast_in_dim3A_368 = vector.shape_cast %select_n3A_367 : vector<16xi32> to vector<16x1xi32>
      %gather3A_369 = vector.shape_cast %broadcast_in_dim3A_368 : vector<16x1xi32> to vector<16xi32>
      %gather3A_370 = tpu.dynamic_gather %get3A_360[%gather3A_369] in [0] : vector<16xf32>, vector<16xi32> -> vector<16xf32>
      %max3A_371 = arith.constant 1.000000e+00 : f32
      %max3A_372 = vector.broadcast %max3A_371 : f32 to vector<16xf32>
      %max3A_373 = arith.maximumf %gather3A_370, %max3A_372 : vector<16xf32>
      %div3A_374 = arith.divf %get3A_360, %max3A_373 : vector<16xf32>
      %add3A_375 = arith.addf %div3A_374, %get3A_333 : vector<16xf32>
      %swap3A_376 = arith.constant 1 : i32
      %swap3A_377 = arith.index_cast %swap3A_376 : i32 to index
      %swap3A_378 = arith.constant 0 : index
      %swap3A_379 = tpu.vector_load %arg8[%swap3A_377, %swap3A_378] {strides = array<i32>} : memref<32x16xf32, #tpu.memory_space<vmem>>, vector<1x16xf32>,
      %swap3A_380 = vector.shape_cast %swap3A_379 : vector<1x16xf32> to vector<16xf32>
      %swap3A_381 = vector.shape_cast %add3A_375 : vector<16xf32> to vector<1x16xf32>
      tpu.vector_store %arg8[%swap3A_377, %swap3A_378], %swap3A_381 {strides = array<i32>} : memref<32x16xf32, #tpu.memory_space<vmem>>, vector<1x16xf32>,
      %get3A_382 = arith.constant 2 : i32
      %get3A_383 = arith.index_cast %get3A_382 : i32 to index
      %get3A_384 = arith.constant 0 : index
      %get3A_385 = tpu.vector_load %arg8[%get3A_383, %get3A_384] {strides = array<i32>} : memref<32x16xf32, #tpu.memory_space<vmem>>, vector<1x16xf32>,
      %get3A_386 = vector.shape_cast %get3A_385 : vector<1x16xf32> to vector<16xf32>
      %lt3A_387 = arith.constant 0 : i32
      %lt3A_388 = vector.broadcast %lt3A_387 : i32 to vector<16xi32>
      %lt3A_389 = arith.cmpi slt, %broadcast_in_dim3A_335, %lt3A_388 : vector<16xi32>
      %add3A_390 = arith.constant 16 : i32
      %add3A_391 = vector.broadcast %add3A_390 : i32 to vector<16xi32>
      %add3A_392 = arith.addi %broadcast_in_dim3A_335, %add3A_391 : vector<16xi32>
      %select_n3A_393 = arith.select %lt3A_389, %add3A_392, %broadcast_in_dim3A_335 : vector<16xi1>, vector<16xi32>
      %broadcast_in_dim3A_394 = vector.shape_cast %select_n3A_393 : vector<16xi32> to vector<16x1xi32>
      %gather3A_395 = vector.shape_cast %broadcast_in_dim3A_394 : vector<16x1xi32> to vector<16xi32>
      %gather3A_396 = tpu.dynamic_gather %get3A_386[%gather3A_395] in [0] : vector<16xf32>, vector<16xi32> -> vector<16xf32>
      %max3A_397 = arith.constant 1.000000e+00 : f32
      %max3A_398 = vector.broadcast %max3A_397 : f32 to vector<16xf32>
      %max3A_399 = arith.maximumf %gather3A_396, %max3A_398 : vector<16xf32>
      %div3A_400 = arith.divf %get3A_386, %max3A_399 : vector<16xf32>
      %add3A_401 = arith.addf %div3A_400, %get3A_333 : vector<16xf32>
      %swap3A_402 = arith.constant 2 : i32
      %swap3A_403 = arith.index_cast %swap3A_402 : i32 to index
      %swap3A_404 = arith.constant 0 : index
      %swap3A_405 = tpu.vector_load %arg8[%swap3A_403, %swap3A_404] {strides = array<i32>} : memref<32x16xf32, #tpu.memory_space<vmem>>, vector<1x16xf32>,
      %swap3A_406 = vector.shape_cast %swap3A_405 : vector<1x16xf32> to vector<16xf32>
      %swap3A_407 = vector.shape_cast %add3A_401 : vector<16xf32> to vector<1x16xf32>
      tpu.vector_store %arg8[%swap3A_403, %swap3A_404], %swap3A_407 {strides = array<i32>} : memref<32x16xf32, #tpu.memory_space<vmem>>, vector<1x16xf32>,
      %get3A_408 = arith.constant 3 : i32
      %get3A_409 = arith.index_cast %get3A_408 : i32 to index
      %get3A_410 = arith.constant 0 : index
      %get3A_411 = tpu.vector_load %arg8[%get3A_409, %get3A_410] {strides = array<i32>} : memref<32x16xf32, #tpu.memory_space<vmem>>, vector<1x16xf32>,
      %get3A_412 = vector.shape_cast %get3A_411 : vector<1x16xf32> to vector<16xf32>
      %lt3A_413 = arith.constant 0 : i32
      %lt3A_414 = vector.broadcast %lt3A_413 : i32 to vector<16xi32>
      %lt3A_415 = arith.cmpi slt, %broadcast_in_dim3A_335, %lt3A_414 : vector<16xi32>
      %add3A_416 = arith.constant 16 : i32
      %add3A_417 = vector.broadcast %add3A_416 : i32 to vector<16xi32>
      %add3A_418 = arith.addi %broadcast_in_dim3A_335, %add3A_417 : vector<16xi32>
      %select_n3A_419 = arith.select %lt3A_415, %add3A_418, %broadcast_in_dim3A_335 : vector<16xi1>, vector<16xi32>
      %broadcast_in_dim3A_420 = vector.shape_cast %select_n3A_419 : vector<16xi32> to vector<16x1xi32>
      %gather3A_421 = vector.shape_cast %broadcast_in_dim3A_420 : vector<16x1xi32> to vector<16xi32>
      %gather3A_422 = tpu.dynamic_gather %get3A_412[%gather3A_421] in [0] : vector<16xf32>, vector<16xi32> -> vector<16xf32>
      %max3A_423 = arith.constant 1.000000e+00 : f32
      %max3A_424 = vector.broadcast %max3A_423 : f32 to vector<16xf32>
      %max3A_425 = arith.maximumf %gather3A_422, %max3A_424 : vector<16xf32>
      %div3A_426 = arith.divf %get3A_412, %max3A_425 : vector<16xf32>
      %add3A_427 = arith.addf %div3A_426, %get3A_333 : vector<16xf32>
      %swap3A_428 = arith.constant 3 : i32
      %swap3A_429 = arith.index_cast %swap3A_428 : i32 to index
      %swap3A_430 = arith.constant 0 : index
      %swap3A_431 = tpu.vector_load %arg8[%swap3A_429, %swap3A_430] {strides = array<i32>} : memref<32x16xf32, #tpu.memory_space<vmem>>, vector<1x16xf32>,
      %swap3A_432 = vector.shape_cast %swap3A_431 : vector<1x16xf32> to vector<16xf32>
      %swap3A_433 = vector.shape_cast %add3A_427 : vector<16xf32> to vector<1x16xf32>
      tpu.vector_store %arg8[%swap3A_429, %swap3A_430], %swap3A_433 {strides = array<i32>} : memref<32x16xf32, #tpu.memory_space<vmem>>, vector<1x16xf32>,
      %get3A_434 = arith.constant 4 : i32
      %get3A_435 = arith.index_cast %get3A_434 : i32 to index
      %get3A_436 = arith.constant 0 : index
      %get3A_437 = tpu.vector_load %arg8[%get3A_435, %get3A_436] {strides = array<i32>} : memref<32x16xf32, #tpu.memory_space<vmem>>, vector<1x16xf32>,
      %get3A_438 = vector.shape_cast %get3A_437 : vector<1x16xf32> to vector<16xf32>
      %lt3A_439 = arith.constant 0 : i32
      %lt3A_440 = vector.broadcast %lt3A_439 : i32 to vector<16xi32>
      %lt3A_441 = arith.cmpi slt, %broadcast_in_dim3A_335, %lt3A_440 : vector<16xi32>
      %add3A_442 = arith.constant 16 : i32
      %add3A_443 = vector.broadcast %add3A_442 : i32 to vector<16xi32>
      %add3A_444 = arith.addi %broadcast_in_dim3A_335, %add3A_443 : vector<16xi32>
      %select_n3A_445 = arith.select %lt3A_441, %add3A_444, %broadcast_in_dim3A_335 : vector<16xi1>, vector<16xi32>
      %broadcast_in_dim3A_446 = vector.shape_cast %select_n3A_445 : vector<16xi32> to vector<16x1xi32>
      %gather3A_447 = vector.shape_cast %broadcast_in_dim3A_446 : vector<16x1xi32> to vector<16xi32>
      %gather3A_448 = tpu.dynamic_gather %get3A_438[%gather3A_447] in [0] : vector<16xf32>, vector<16xi32> -> vector<16xf32>
      %max3A_449 = arith.constant 1.000000e+00 : f32
      %max3A_450 = vector.broadcast %max3A_449 : f32 to vector<16xf32>
      %max3A_451 = arith.maximumf %gather3A_448, %max3A_450 : vector<16xf32>
      %div3A_452 = arith.divf %get3A_438, %max3A_451 : vector<16xf32>
      %add3A_453 = arith.addf %div3A_452, %get3A_333 : vector<16xf32>
      %swap3A_454 = arith.constant 4 : i32
      %swap3A_455 = arith.index_cast %swap3A_454 : i32 to index
      %swap3A_456 = arith.constant 0 : index
      %swap3A_457 = tpu.vector_load %arg8[%swap3A_455, %swap3A_456] {strides = array<i32>} : memref<32x16xf32, #tpu.memory_space<vmem>>, vector<1x16xf32>,
      %swap3A_458 = vector.shape_cast %swap3A_457 : vector<1x16xf32> to vector<16xf32>
      %swap3A_459 = vector.shape_cast %add3A_453 : vector<16xf32> to vector<1x16xf32>
      tpu.vector_store %arg8[%swap3A_455, %swap3A_456], %swap3A_459 {strides = array<i32>} : memref<32x16xf32, #tpu.memory_space<vmem>>, vector<1x16xf32>,
      %get3A_460 = arith.constant 5 : i32
      %get3A_461 = arith.index_cast %get3A_460 : i32 to index
      %get3A_462 = arith.constant 0 : index
      %get3A_463 = tpu.vector_load %arg8[%get3A_461, %get3A_462] {strides = array<i32>} : memref<32x16xf32, #tpu.memory_space<vmem>>, vector<1x16xf32>,
      %get3A_464 = vector.shape_cast %get3A_463 : vector<1x16xf32> to vector<16xf32>
      %lt3A_465 = arith.constant 0 : i32
      %lt3A_466 = vector.broadcast %lt3A_465 : i32 to vector<16xi32>
      %lt3A_467 = arith.cmpi slt, %broadcast_in_dim3A_335, %lt3A_466 : vector<16xi32>
      %add3A_468 = arith.constant 16 : i32
      %add3A_469 = vector.broadcast %add3A_468 : i32 to vector<16xi32>
      %add3A_470 = arith.addi %broadcast_in_dim3A_335, %add3A_469 : vector<16xi32>
      %select_n3A_471 = arith.select %lt3A_467, %add3A_470, %broadcast_in_dim3A_335 : vector<16xi1>, vector<16xi32>
      %broadcast_in_dim3A_472 = vector.shape_cast %select_n3A_471 : vector<16xi32> to vector<16x1xi32>
      %gather3A_473 = vector.shape_cast %broadcast_in_dim3A_472 : vector<16x1xi32> to vector<16xi32>
      %gather3A_474 = tpu.dynamic_gather %get3A_464[%gather3A_473] in [0] : vector<16xf32>, vector<16xi32> -> vector<16xf32>
      %max3A_475 = arith.constant 1.000000e+00 : f32
      %max3A_476 = vector.broadcast %max3A_475 : f32 to vector<16xf32>
      %max3A_477 = arith.maximumf %gather3A_474, %max3A_476 : vector<16xf32>
      %div3A_478 = arith.divf %get3A_464, %max3A_477 : vector<16xf32>
      %add3A_479 = arith.addf %div3A_478, %get3A_333 : vector<16xf32>
      %swap3A_480 = arith.constant 5 : i32
      %swap3A_481 = arith.index_cast %swap3A_480 : i32 to index
      %swap3A_482 = arith.constant 0 : index
      %swap3A_483 = tpu.vector_load %arg8[%swap3A_481, %swap3A_482] {strides = array<i32>} : memref<32x16xf32, #tpu.memory_space<vmem>>, vector<1x16xf32>,
      %swap3A_484 = vector.shape_cast %swap3A_483 : vector<1x16xf32> to vector<16xf32>
      %swap3A_485 = vector.shape_cast %add3A_479 : vector<16xf32> to vector<1x16xf32>
      tpu.vector_store %arg8[%swap3A_481, %swap3A_482], %swap3A_485 {strides = array<i32>} : memref<32x16xf32, #tpu.memory_space<vmem>>, vector<1x16xf32>,
      %get3A_486 = arith.constant 6 : i32
      %get3A_487 = arith.index_cast %get3A_486 : i32 to index
      %get3A_488 = arith.constant 0 : index
      %get3A_489 = tpu.vector_load %arg8[%get3A_487, %get3A_488] {strides = array<i32>} : memref<32x16xf32, #tpu.memory_space<vmem>>, vector<1x16xf32>,
      %get3A_490 = vector.shape_cast %get3A_489 : vector<1x16xf32> to vector<16xf32>
      %lt3A_491 = arith.constant 0 : i32
      %lt3A_492 = vector.broadcast %lt3A_491 : i32 to vector<16xi32>
      %lt3A_493 = arith.cmpi slt, %broadcast_in_dim3A_335, %lt3A_492 : vector<16xi32>
      %add3A_494 = arith.constant 16 : i32
      %add3A_495 = vector.broadcast %add3A_494 : i32 to vector<16xi32>
      %add3A_496 = arith.addi %broadcast_in_dim3A_335, %add3A_495 : vector<16xi32>
      %select_n3A_497 = arith.select %lt3A_493, %add3A_496, %broadcast_in_dim3A_335 : vector<16xi1>, vector<16xi32>
      %broadcast_in_dim3A_498 = vector.shape_cast %select_n3A_497 : vector<16xi32> to vector<16x1xi32>
      %gather3A_499 = vector.shape_cast %broadcast_in_dim3A_498 : vector<16x1xi32> to vector<16xi32>
      %gather3A_500 = tpu.dynamic_gather %get3A_490[%gather3A_499] in [0] : vector<16xf32>, vector<16xi32> -> vector<16xf32>
      %max3A_501 = arith.constant 1.000000e+00 : f32
      %max3A_502 = vector.broadcast %max3A_501 : f32 to vector<16xf32>
      %max3A_503 = arith.maximumf %gather3A_500, %max3A_502 : vector<16xf32>
      %div3A_504 = arith.divf %get3A_490, %max3A_503 : vector<16xf32>
      %add3A_505 = arith.addf %div3A_504, %get3A_333 : vector<16xf32>
      %swap3A_506 = arith.constant 6 : i32
      %swap3A_507 = arith.index_cast %swap3A_506 : i32 to index
      %swap3A_508 = arith.constant 0 : index
      %swap3A_509 = tpu.vector_load %arg8[%swap3A_507, %swap3A_508] {strides = array<i32>} : memref<32x16xf32, #tpu.memory_space<vmem>>, vector<1x16xf32>,
      %swap3A_510 = vector.shape_cast %swap3A_509 : vector<1x16xf32> to vector<16xf32>
      %swap3A_511 = vector.shape_cast %add3A_505 : vector<16xf32> to vector<1x16xf32>
      tpu.vector_store %arg8[%swap3A_507, %swap3A_508], %swap3A_511 {strides = array<i32>} : memref<32x16xf32, #tpu.memory_space<vmem>>, vector<1x16xf32>,
      %get3A_512 = arith.constant 7 : i32
      %get3A_513 = arith.index_cast %get3A_512 : i32 to index
      %get3A_514 = arith.constant 0 : index
      %get3A_515 = tpu.vector_load %arg8[%get3A_513, %get3A_514] {strides = array<i32>} : memref<32x16xf32, #tpu.memory_space<vmem>>, vector<1x16xf32>,
      %get3A_516 = vector.shape_cast %get3A_515 : vector<1x16xf32> to vector<16xf32>
      %lt3A_517 = arith.constant 0 : i32
      %lt3A_518 = vector.broadcast %lt3A_517 : i32 to vector<16xi32>
      %lt3A_519 = arith.cmpi slt, %broadcast_in_dim3A_335, %lt3A_518 : vector<16xi32>
      %add3A_520 = arith.constant 16 : i32
      %add3A_521 = vector.broadcast %add3A_520 : i32 to vector<16xi32>
      %add3A_522 = arith.addi %broadcast_in_dim3A_335, %add3A_521 : vector<16xi32>
      %select_n3A_523 = arith.select %lt3A_519, %add3A_522, %broadcast_in_dim3A_335 : vector<16xi1>, vector<16xi32>
      %broadcast_in_dim3A_524 = vector.shape_cast %select_n3A_523 : vector<16xi32> to vector<16x1xi32>
      %gather3A_525 = vector.shape_cast %broadcast_in_dim3A_524 : vector<16x1xi32> to vector<16xi32>
      %gather3A_526 = tpu.dynamic_gather %get3A_516[%gather3A_525] in [0] : vector<16xf32>, vector<16xi32> -> vector<16xf32>
      %max3A_527 = arith.constant 1.000000e+00 : f32
      %max3A_528 = vector.broadcast %max3A_527 : f32 to vector<16xf32>
      %max3A_529 = arith.maximumf %gather3A_526, %max3A_528 : vector<16xf32>
      %div3A_530 = arith.divf %get3A_516, %max3A_529 : vector<16xf32>
      %add3A_531 = arith.addf %div3A_530, %get3A_333 : vector<16xf32>
      %swap3A_532 = arith.constant 7 : i32
      %swap3A_533 = arith.index_cast %swap3A_532 : i32 to index
      %swap3A_534 = arith.constant 0 : index
      %swap3A_535 = tpu.vector_load %arg8[%swap3A_533, %swap3A_534] {strides = array<i32>} : memref<32x16xf32, #tpu.memory_space<vmem>>, vector<1x16xf32>,
      %swap3A_536 = vector.shape_cast %swap3A_535 : vector<1x16xf32> to vector<16xf32>
      %swap3A_537 = vector.shape_cast %add3A_531 : vector<16xf32> to vector<1x16xf32>
      tpu.vector_store %arg8[%swap3A_533, %swap3A_534], %swap3A_537 {strides = array<i32>} : memref<32x16xf32, #tpu.memory_space<vmem>>, vector<1x16xf32>,
      %get3A_538 = arith.constant 8 : i32
      %get3A_539 = arith.index_cast %get3A_538 : i32 to index
      %get3A_540 = arith.constant 0 : index
      %get3A_541 = tpu.vector_load %arg8[%get3A_539, %get3A_540] {strides = array<i32>} : memref<32x16xf32, #tpu.memory_space<vmem>>, vector<1x16xf32>,
      %get3A_542 = vector.shape_cast %get3A_541 : vector<1x16xf32> to vector<16xf32>
      %lt3A_543 = arith.constant 0 : i32
      %lt3A_544 = vector.broadcast %lt3A_543 : i32 to vector<16xi32>
      %lt3A_545 = arith.cmpi slt, %broadcast_in_dim3A_335, %lt3A_544 : vector<16xi32>
      %add3A_546 = arith.constant 16 : i32
      %add3A_547 = vector.broadcast %add3A_546 : i32 to vector<16xi32>
      %add3A_548 = arith.addi %broadcast_in_dim3A_335, %add3A_547 : vector<16xi32>
      %select_n3A_549 = arith.select %lt3A_545, %add3A_548, %broadcast_in_dim3A_335 : vector<16xi1>, vector<16xi32>
      %broadcast_in_dim3A_550 = vector.shape_cast %select_n3A_549 : vector<16xi32> to vector<16x1xi32>
      %gather3A_551 = vector.shape_cast %broadcast_in_dim3A_550 : vector<16x1xi32> to vector<16xi32>
      %gather3A_552 = tpu.dynamic_gather %get3A_542[%gather3A_551] in [0] : vector<16xf32>, vector<16xi32> -> vector<16xf32>
      %max3A_553 = arith.constant 1.000000e+00 : f32
      %max3A_554 = vector.broadcast %max3A_553 : f32 to vector<16xf32>
      %max3A_555 = arith.maximumf %gather3A_552, %max3A_554 : vector<16xf32>
      %div3A_556 = arith.divf %get3A_542, %max3A_555 : vector<16xf32>
      %add3A_557 = arith.addf %div3A_556, %get3A_333 : vector<16xf32>
      %swap3A_558 = arith.constant 8 : i32
      %swap3A_559 = arith.index_cast %swap3A_558 : i32 to index
      %swap3A_560 = arith.constant 0 : index
      %swap3A_561 = tpu.vector_load %arg8[%swap3A_559, %swap3A_560] {strides = array<i32>} : memref<32x16xf32, #tpu.memory_space<vmem>>, vector<1x16xf32>,
      %swap3A_562 = vector.shape_cast %swap3A_561 : vector<1x16xf32> to vector<16xf32>
      %swap3A_563 = vector.shape_cast %add3A_557 : vector<16xf32> to vector<1x16xf32>
      tpu.vector_store %arg8[%swap3A_559, %swap3A_560], %swap3A_563 {strides = array<i32>} : memref<32x16xf32, #tpu.memory_space<vmem>>, vector<1x16xf32>,
      %get3A_564 = arith.constant 9 : i32
      %get3A_565 = arith.index_cast %get3A_564 : i32 to index
      %get3A_566 = arith.constant 0 : index
      %get3A_567 = tpu.vector_load %arg8[%get3A_565, %get3A_566] {strides = array<i32>} : memref<32x16xf32, #tpu.memory_space<vmem>>, vector<1x16xf32>,
      %get3A_568 = vector.shape_cast %get3A_567 : vector<1x16xf32> to vector<16xf32>
      %lt3A_569 = arith.constant 0 : i32
      %lt3A_570 = vector.broadcast %lt3A_569 : i32 to vector<16xi32>
      %lt3A_571 = arith.cmpi slt, %broadcast_in_dim3A_335, %lt3A_570 : vector<16xi32>
      %add3A_572 = arith.constant 16 : i32
      %add3A_573 = vector.broadcast %add3A_572 : i32 to vector<16xi32>
      %add3A_574 = arith.addi %broadcast_in_dim3A_335, %add3A_573 : vector<16xi32>
      %select_n3A_575 = arith.select %lt3A_571, %add3A_574, %broadcast_in_dim3A_335 : vector<16xi1>, vector<16xi32>
      %broadcast_in_dim3A_576 = vector.shape_cast %select_n3A_575 : vector<16xi32> to vector<16x1xi32>
      %gather3A_577 = vector.shape_cast %broadcast_in_dim3A_576 : vector<16x1xi32> to vector<16xi32>
      %gather3A_578 = tpu.dynamic_gather %get3A_568[%gather3A_577] in [0] : vector<16xf32>, vector<16xi32> -> vector<16xf32>
      %max3A_579 = arith.constant 1.000000e+00 : f32
      %max3A_580 = vector.broadcast %max3A_579 : f32 to vector<16xf32>
      %max3A_581 = arith.maximumf %gather3A_578, %max3A_580 : vector<16xf32>
      %div3A_582 = arith.divf %get3A_568, %max3A_581 : vector<16xf32>
      %add3A_583 = arith.addf %div3A_582, %get3A_333 : vector<16xf32>
      %swap3A_584 = arith.constant 9 : i32
      %swap3A_585 = arith.index_cast %swap3A_584 : i32 to index
      %swap3A_586 = arith.constant 0 : index
      %swap3A_587 = tpu.vector_load %arg8[%swap3A_585, %swap3A_586] {strides = array<i32>} : memref<32x16xf32, #tpu.memory_space<vmem>>, vector<1x16xf32>,
      %swap3A_588 = vector.shape_cast %swap3A_587 : vector<1x16xf32> to vector<16xf32>
      %swap3A_589 = vector.shape_cast %add3A_583 : vector<16xf32> to vector<1x16xf32>
      tpu.vector_store %arg8[%swap3A_585, %swap3A_586], %swap3A_589 {strides = array<i32>} : memref<32x16xf32, #tpu.memory_space<vmem>>, vector<1x16xf32>,
      %get3A_590 = arith.constant 10 : i32
      %get3A_591 = arith.index_cast %get3A_590 : i32 to index
      %get3A_592 = arith.constant 0 : index
      %get3A_593 = tpu.vector_load %arg8[%get3A_591, %get3A_592] {strides = array<i32>} : memref<32x16xf32, #tpu.memory_space<vmem>>, vector<1x16xf32>,
      %get3A_594 = vector.shape_cast %get3A_593 : vector<1x16xf32> to vector<16xf32>
      %lt3A_595 = arith.constant 0 : i32
      %lt3A_596 = vector.broadcast %lt3A_595 : i32 to vector<16xi32>
      %lt3A_597 = arith.cmpi slt, %broadcast_in_dim3A_335, %lt3A_596 : vector<16xi32>
      %add3A_598 = arith.constant 16 : i32
      %add3A_599 = vector.broadcast %add3A_598 : i32 to vector<16xi32>
      %add3A_600 = arith.addi %broadcast_in_dim3A_335, %add3A_599 : vector<16xi32>
      %select_n3A_601 = arith.select %lt3A_597, %add3A_600, %broadcast_in_dim3A_335 : vector<16xi1>, vector<16xi32>
      %broadcast_in_dim3A_602 = vector.shape_cast %select_n3A_601 : vector<16xi32> to vector<16x1xi32>
      %gather3A_603 = vector.shape_cast %broadcast_in_dim3A_602 : vector<16x1xi32> to vector<16xi32>
      %gather3A_604 = tpu.dynamic_gather %get3A_594[%gather3A_603] in [0] : vector<16xf32>, vector<16xi32> -> vector<16xf32>
      %max3A_605 = arith.constant 1.000000e+00 : f32
      %max3A_606 = vector.broadcast %max3A_605 : f32 to vector<16xf32>
      %max3A_607 = arith.maximumf %gather3A_604, %max3A_606 : vector<16xf32>
      %div3A_608 = arith.divf %get3A_594, %max3A_607 : vector<16xf32>
      %add3A_609 = arith.addf %div3A_608, %get3A_333 : vector<16xf32>
      %swap3A_610 = arith.constant 10 : i32
      %swap3A_611 = arith.index_cast %swap3A_610 : i32 to index
      %swap3A_612 = arith.constant 0 : index
      %swap3A_613 = tpu.vector_load %arg8[%swap3A_611, %swap3A_612] {strides = array<i32>} : memref<32x16xf32, #tpu.memory_space<vmem>>, vector<1x16xf32>,
      %swap3A_614 = vector.shape_cast %swap3A_613 : vector<1x16xf32> to vector<16xf32>
      %swap3A_615 = vector.shape_cast %add3A_609 : vector<16xf32> to vector<1x16xf32>
      tpu.vector_store %arg8[%swap3A_611, %swap3A_612], %swap3A_615 {strides = array<i32>} : memref<32x16xf32, #tpu.memory_space<vmem>>, vector<1x16xf32>,
      %get3A_616 = arith.constant 11 : i32
      %get3A_617 = arith.index_cast %get3A_616 : i32 to index
      %get3A_618 = arith.constant 0 : index
      %get3A_619 = tpu.vector_load %arg8[%get3A_617, %get3A_618] {strides = array<i32>} : memref<32x16xf32, #tpu.memory_space<vmem>>, vector<1x16xf32>,
      %get3A_620 = vector.shape_cast %get3A_619 : vector<1x16xf32> to vector<16xf32>
      %lt3A_621 = arith.constant 0 : i32
      %lt3A_622 = vector.broadcast %lt3A_621 : i32 to vector<16xi32>
      %lt3A_623 = arith.cmpi slt, %broadcast_in_dim3A_335, %lt3A_622 : vector<16xi32>
      %add3A_624 = arith.constant 16 : i32
      %add3A_625 = vector.broadcast %add3A_624 : i32 to vector<16xi32>
      %add3A_626 = arith.addi %broadcast_in_dim3A_335, %add3A_625 : vector<16xi32>
      %select_n3A_627 = arith.select %lt3A_623, %add3A_626, %broadcast_in_dim3A_335 : vector<16xi1>, vector<16xi32>
      %broadcast_in_dim3A_628 = vector.shape_cast %select_n3A_627 : vector<16xi32> to vector<16x1xi32>
      %gather3A_629 = vector.shape_cast %broadcast_in_dim3A_628 : vector<16x1xi32> to vector<16xi32>
      %gather3A_630 = tpu.dynamic_gather %get3A_620[%gather3A_629] in [0] : vector<16xf32>, vector<16xi32> -> vector<16xf32>
      %max3A_631 = arith.constant 1.000000e+00 : f32
      %max3A_632 = vector.broadcast %max3A_631 : f32 to vector<16xf32>
      %max3A_633 = arith.maximumf %gather3A_630, %max3A_632 : vector<16xf32>
      %div3A_634 = arith.divf %get3A_620, %max3A_633 : vector<16xf32>
      %add3A_635 = arith.addf %div3A_634, %get3A_333 : vector<16xf32>
      %swap3A_636 = arith.constant 11 : i32
      %swap3A_637 = arith.index_cast %swap3A_636 : i32 to index
      %swap3A_638 = arith.constant 0 : index
      %swap3A_639 = tpu.vector_load %arg8[%swap3A_637, %swap3A_638] {strides = array<i32>} : memref<32x16xf32, #tpu.memory_space<vmem>>, vector<1x16xf32>,
      %swap3A_640 = vector.shape_cast %swap3A_639 : vector<1x16xf32> to vector<16xf32>
      %swap3A_641 = vector.shape_cast %add3A_635 : vector<16xf32> to vector<1x16xf32>
      tpu.vector_store %arg8[%swap3A_637, %swap3A_638], %swap3A_641 {strides = array<i32>} : memref<32x16xf32, #tpu.memory_space<vmem>>, vector<1x16xf32>,
      %get3A_642 = arith.constant 12 : i32
      %get3A_643 = arith.index_cast %get3A_642 : i32 to index
      %get3A_644 = arith.constant 0 : index
      %get3A_645 = tpu.vector_load %arg8[%get3A_643, %get3A_644] {strides = array<i32>} : memref<32x16xf32, #tpu.memory_space<vmem>>, vector<1x16xf32>,
      %get3A_646 = vector.shape_cast %get3A_645 : vector<1x16xf32> to vector<16xf32>
      %lt3A_647 = arith.constant 0 : i32
      %lt3A_648 = vector.broadcast %lt3A_647 : i32 to vector<16xi32>
      %lt3A_649 = arith.cmpi slt, %broadcast_in_dim3A_335, %lt3A_648 : vector<16xi32>
      %add3A_650 = arith.constant 16 : i32
      %add3A_651 = vector.broadcast %add3A_650 : i32 to vector<16xi32>
      %add3A_652 = arith.addi %broadcast_in_dim3A_335, %add3A_651 : vector<16xi32>
      %select_n3A_653 = arith.select %lt3A_649, %add3A_652, %broadcast_in_dim3A_335 : vector<16xi1>, vector<16xi32>
      %broadcast_in_dim3A_654 = vector.shape_cast %select_n3A_653 : vector<16xi32> to vector<16x1xi32>
      %gather3A_655 = vector.shape_cast %broadcast_in_dim3A_654 : vector<16x1xi32> to vector<16xi32>
      %gather3A_656 = tpu.dynamic_gather %get3A_646[%gather3A_655] in [0] : vector<16xf32>, vector<16xi32> -> vector<16xf32>
      %max3A_657 = arith.constant 1.000000e+00 : f32
      %max3A_658 = vector.broadcast %max3A_657 : f32 to vector<16xf32>
      %max3A_659 = arith.maximumf %gather3A_656, %max3A_658 : vector<16xf32>
      %div3A_660 = arith.divf %get3A_646, %max3A_659 : vector<16xf32>
      %add3A_661 = arith.addf %div3A_660, %get3A_333 : vector<16xf32>
      %swap3A_662 = arith.constant 12 : i32
      %swap3A_663 = arith.index_cast %swap3A_662 : i32 to index
      %swap3A_664 = arith.constant 0 : index
      %swap3A_665 = tpu.vector_load %arg8[%swap3A_663, %swap3A_664] {strides = array<i32>} : memref<32x16xf32, #tpu.memory_space<vmem>>, vector<1x16xf32>,
      %swap3A_666 = vector.shape_cast %swap3A_665 : vector<1x16xf32> to vector<16xf32>
      %swap3A_667 = vector.shape_cast %add3A_661 : vector<16xf32> to vector<1x16xf32>
      tpu.vector_store %arg8[%swap3A_663, %swap3A_664], %swap3A_667 {strides = array<i32>} : memref<32x16xf32, #tpu.memory_space<vmem>>, vector<1x16xf32>,
      %get3A_668 = arith.constant 13 : i32
      %get3A_669 = arith.index_cast %get3A_668 : i32 to index
      %get3A_670 = arith.constant 0 : index
      %get3A_671 = tpu.vector_load %arg8[%get3A_669, %get3A_670] {strides = array<i32>} : memref<32x16xf32, #tpu.memory_space<vmem>>, vector<1x16xf32>,
      %get3A_672 = vector.shape_cast %get3A_671 : vector<1x16xf32> to vector<16xf32>
      %lt3A_673 = arith.constant 0 : i32
      %lt3A_674 = vector.broadcast %lt3A_673 : i32 to vector<16xi32>
      %lt3A_675 = arith.cmpi slt, %broadcast_in_dim3A_335, %lt3A_674 : vector<16xi32>
      %add3A_676 = arith.constant 16 : i32
      %add3A_677 = vector.broadcast %add3A_676 : i32 to vector<16xi32>
      %add3A_678 = arith.addi %broadcast_in_dim3A_335, %add3A_677 : vector<16xi32>
      %select_n3A_679 = arith.select %lt3A_675, %add3A_678, %broadcast_in_dim3A_335 : vector<16xi1>, vector<16xi32>
      %broadcast_in_dim3A_680 = vector.shape_cast %select_n3A_679 : vector<16xi32> to vector<16x1xi32>
      %gather3A_681 = vector.shape_cast %broadcast_in_dim3A_680 : vector<16x1xi32> to vector<16xi32>
      %gather3A_682 = tpu.dynamic_gather %get3A_672[%gather3A_681] in [0] : vector<16xf32>, vector<16xi32> -> vector<16xf32>
      %max3A_683 = arith.constant 1.000000e+00 : f32
      %max3A_684 = vector.broadcast %max3A_683 : f32 to vector<16xf32>
      %max3A_685 = arith.maximumf %gather3A_682, %max3A_684 : vector<16xf32>
      %div3A_686 = arith.divf %get3A_672, %max3A_685 : vector<16xf32>
      %add3A_687 = arith.addf %div3A_686, %get3A_333 : vector<16xf32>
      %swap3A_688 = arith.constant 13 : i32
      %swap3A_689 = arith.index_cast %swap3A_688 : i32 to index
      %swap3A_690 = arith.constant 0 : index
      %swap3A_691 = tpu.vector_load %arg8[%swap3A_689, %swap3A_690] {strides = array<i32>} : memref<32x16xf32, #tpu.memory_space<vmem>>, vector<1x16xf32>,
      %swap3A_692 = vector.shape_cast %swap3A_691 : vector<1x16xf32> to vector<16xf32>
      %swap3A_693 = vector.shape_cast %add3A_687 : vector<16xf32> to vector<1x16xf32>
      tpu.vector_store %arg8[%swap3A_689, %swap3A_690], %swap3A_693 {strides = array<i32>} : memref<32x16xf32, #tpu.memory_space<vmem>>, vector<1x16xf32>,
      %get3A_694 = arith.constant 14 : i32
      %get3A_695 = arith.index_cast %get3A_694 : i32 to index
      %get3A_696 = arith.constant 0 : index
      %get3A_697 = tpu.vector_load %arg8[%get3A_695, %get3A_696] {strides = array<i32>} : memref<32x16xf32, #tpu.memory_space<vmem>>, vector<1x16xf32>,
      %get3A_698 = vector.shape_cast %get3A_697 : vector<1x16xf32> to vector<16xf32>
      %lt3A_699 = arith.constant 0 : i32
      %lt3A_700 = vector.broadcast %lt3A_699 : i32 to vector<16xi32>
      %lt3A_701 = arith.cmpi slt, %broadcast_in_dim3A_335, %lt3A_700 : vector<16xi32>
      %add3A_702 = arith.constant 16 : i32
      %add3A_703 = vector.broadcast %add3A_702 : i32 to vector<16xi32>
      %add3A_704 = arith.addi %broadcast_in_dim3A_335, %add3A_703 : vector<16xi32>
      %select_n3A_705 = arith.select %lt3A_701, %add3A_704, %broadcast_in_dim3A_335 : vector<16xi1>, vector<16xi32>
      %broadcast_in_dim3A_706 = vector.shape_cast %select_n3A_705 : vector<16xi32> to vector<16x1xi32>
      %gather3A_707 = vector.shape_cast %broadcast_in_dim3A_706 : vector<16x1xi32> to vector<16xi32>
      %gather3A_708 = tpu.dynamic_gather %get3A_698[%gather3A_707] in [0] : vector<16xf32>, vector<16xi32> -> vector<16xf32>
      %max3A_709 = arith.constant 1.000000e+00 : f32
      %max3A_710 = vector.broadcast %max3A_709 : f32 to vector<16xf32>
      %max3A_711 = arith.maximumf %gather3A_708, %max3A_710 : vector<16xf32>
      %div3A_712 = arith.divf %get3A_698, %max3A_711 : vector<16xf32>
      %add3A_713 = arith.addf %div3A_712, %get3A_333 : vector<16xf32>
      %swap3A_714 = arith.constant 14 : i32
      %swap3A_715 = arith.index_cast %swap3A_714 : i32 to index
      %swap3A_716 = arith.constant 0 : index
      %swap3A_717 = tpu.vector_load %arg8[%swap3A_715, %swap3A_716] {strides = array<i32>} : memref<32x16xf32, #tpu.memory_space<vmem>>, vector<1x16xf32>,
      %swap3A_718 = vector.shape_cast %swap3A_717 : vector<1x16xf32> to vector<16xf32>
      %swap3A_719 = vector.shape_cast %add3A_713 : vector<16xf32> to vector<1x16xf32>
      tpu.vector_store %arg8[%swap3A_715, %swap3A_716], %swap3A_719 {strides = array<i32>} : memref<32x16xf32, #tpu.memory_space<vmem>>, vector<1x16xf32>,
      %get3A_720 = arith.constant 15 : i32
      %get3A_721 = arith.index_cast %get3A_720 : i32 to index
      %get3A_722 = arith.constant 0 : index
      %get3A_723 = tpu.vector_load %arg8[%get3A_721, %get3A_722] {strides = array<i32>} : memref<32x16xf32, #tpu.memory_space<vmem>>, vector<1x16xf32>,
      %get3A_724 = vector.shape_cast %get3A_723 : vector<1x16xf32> to vector<16xf32>
      %lt3A_725 = arith.constant 0 : i32
      %lt3A_726 = vector.broadcast %lt3A_725 : i32 to vector<16xi32>
      %lt3A_727 = arith.cmpi slt, %broadcast_in_dim3A_335, %lt3A_726 : vector<16xi32>
      %add3A_728 = arith.constant 16 : i32
      %add3A_729 = vector.broadcast %add3A_728 : i32 to vector<16xi32>
      %add3A_730 = arith.addi %broadcast_in_dim3A_335, %add3A_729 : vector<16xi32>
      %select_n3A_731 = arith.select %lt3A_727, %add3A_730, %broadcast_in_dim3A_335 : vector<16xi1>, vector<16xi32>
      %broadcast_in_dim3A_732 = vector.shape_cast %select_n3A_731 : vector<16xi32> to vector<16x1xi32>
      %gather3A_733 = vector.shape_cast %broadcast_in_dim3A_732 : vector<16x1xi32> to vector<16xi32>
      %gather3A_734 = tpu.dynamic_gather %get3A_724[%gather3A_733] in [0] : vector<16xf32>, vector<16xi32> -> vector<16xf32>
      %max3A_735 = arith.constant 1.000000e+00 : f32
      %max3A_736 = vector.broadcast %max3A_735 : f32 to vector<16xf32>
      %max3A_737 = arith.maximumf %gather3A_734, %max3A_736 : vector<16xf32>
      %div3A_738 = arith.divf %get3A_724, %max3A_737 : vector<16xf32>
      %add3A_739 = arith.addf %div3A_738, %get3A_333 : vector<16xf32>
      %swap3A_740 = arith.constant 15 : i32
      %swap3A_741 = arith.index_cast %swap3A_740 : i32 to index
      %swap3A_742 = arith.constant 0 : index
      %swap3A_743 = tpu.vector_load %arg8[%swap3A_741, %swap3A_742] {strides = array<i32>} : memref<32x16xf32, #tpu.memory_space<vmem>>, vector<1x16xf32>,
      %swap3A_744 = vector.shape_cast %swap3A_743 : vector<1x16xf32> to vector<16xf32>
      %swap3A_745 = vector.shape_cast %add3A_739 : vector<16xf32> to vector<1x16xf32>
      tpu.vector_store %arg8[%swap3A_741, %swap3A_742], %swap3A_745 {strides = array<i32>} : memref<32x16xf32, #tpu.memory_space<vmem>>, vector<1x16xf32>,
      %get3A_746 = arith.constant 16 : i32
      %get3A_747 = arith.index_cast %get3A_746 : i32 to index
      %get3A_748 = arith.constant 0 : index
      %get3A_749 = tpu.vector_load %arg8[%get3A_747, %get3A_748] {strides = array<i32>} : memref<32x16xf32, #tpu.memory_space<vmem>>, vector<1x16xf32>,
      %get3A_750 = vector.shape_cast %get3A_749 : vector<1x16xf32> to vector<16xf32>
      %lt3A_751 = arith.constant 0 : i32
      %lt3A_752 = vector.broadcast %lt3A_751 : i32 to vector<16xi32>
      %lt3A_753 = arith.cmpi slt, %broadcast_in_dim3A_335, %lt3A_752 : vector<16xi32>
      %add3A_754 = arith.constant 16 : i32
      %add3A_755 = vector.broadcast %add3A_754 : i32 to vector<16xi32>
      %add3A_756 = arith.addi %broadcast_in_dim3A_335, %add3A_755 : vector<16xi32>
      %select_n3A_757 = arith.select %lt3A_753, %add3A_756, %broadcast_in_dim3A_335 : vector<16xi1>, vector<16xi32>
      %broadcast_in_dim3A_758 = vector.shape_cast %select_n3A_757 : vector<16xi32> to vector<16x1xi32>
      %gather3A_759 = vector.shape_cast %broadcast_in_dim3A_758 : vector<16x1xi32> to vector<16xi32>
      %gather3A_760 = tpu.dynamic_gather %get3A_750[%gather3A_759] in [0] : vector<16xf32>, vector<16xi32> -> vector<16xf32>
      %max3A_761 = arith.constant 1.000000e+00 : f32
      %max3A_762 = vector.broadcast %max3A_761 : f32 to vector<16xf32>
      %max3A_763 = arith.maximumf %gather3A_760, %max3A_762 : vector<16xf32>
      %div3A_764 = arith.divf %get3A_750, %max3A_763 : vector<16xf32>
      %add3A_765 = arith.addf %div3A_764, %get3A_333 : vector<16xf32>
      %swap3A_766 = arith.constant 16 : i32
      %swap3A_767 = arith.index_cast %swap3A_766 : i32 to index
      %swap3A_768 = arith.constant 0 : index
      %swap3A_769 = tpu.vector_load %arg8[%swap3A_767, %swap3A_768] {strides = array<i32>} : memref<32x16xf32, #tpu.memory_space<vmem>>, vector<1x16xf32>,
      %swap3A_770 = vector.shape_cast %swap3A_769 : vector<1x16xf32> to vector<16xf32>
      %swap3A_771 = vector.shape_cast %add3A_765 : vector<16xf32> to vector<1x16xf32>
      tpu.vector_store %arg8[%swap3A_767, %swap3A_768], %swap3A_771 {strides = array<i32>} : memref<32x16xf32, #tpu.memory_space<vmem>>, vector<1x16xf32>,
      %get3A_772 = arith.constant 17 : i32
      %get3A_773 = arith.index_cast %get3A_772 : i32 to index
      %get3A_774 = arith.constant 0 : index
      %get3A_775 = tpu.vector_load %arg8[%get3A_773, %get3A_774] {strides = array<i32>} : memref<32x16xf32, #tpu.memory_space<vmem>>, vector<1x16xf32>,
      %get3A_776 = vector.shape_cast %get3A_775 : vector<1x16xf32> to vector<16xf32>
      %lt3A_777 = arith.constant 0 : i32
      %lt3A_778 = vector.broadcast %lt3A_777 : i32 to vector<16xi32>
      %lt3A_779 = arith.cmpi slt, %broadcast_in_dim3A_335, %lt3A_778 : vector<16xi32>
      %add3A_780 = arith.constant 16 : i32
      %add3A_781 = vector.broadcast %add3A_780 : i32 to vector<16xi32>
      %add3A_782 = arith.addi %broadcast_in_dim3A_335, %add3A_781 : vector<16xi32>
      %select_n3A_783 = arith.select %lt3A_779, %add3A_782, %broadcast_in_dim3A_335 : vector<16xi1>, vector<16xi32>
      %broadcast_in_dim3A_784 = vector.shape_cast %select_n3A_783 : vector<16xi32> to vector<16x1xi32>
      %gather3A_785 = vector.shape_cast %broadcast_in_dim3A_784 : vector<16x1xi32> to vector<16xi32>
      %gather3A_786 = tpu.dynamic_gather %get3A_776[%gather3A_785] in [0] : vector<16xf32>, vector<16xi32> -> vector<16xf32>
      %max3A_787 = arith.constant 1.000000e+00 : f32
      %max3A_788 = vector.broadcast %max3A_787 : f32 to vector<16xf32>
      %max3A_789 = arith.maximumf %gather3A_786, %max3A_788 : vector<16xf32>
      %div3A_790 = arith.divf %get3A_776, %max3A_789 : vector<16xf32>
      %add3A_791 = arith.addf %div3A_790, %get3A_333 : vector<16xf32>
      %swap3A_792 = arith.constant 17 : i32
      %swap3A_793 = arith.index_cast %swap3A_792 : i32 to index
      %swap3A_794 = arith.constant 0 : index
      %swap3A_795 = tpu.vector_load %arg8[%swap3A_793, %swap3A_794] {strides = array<i32>} : memref<32x16xf32, #tpu.memory_space<vmem>>, vector<1x16xf32>,
      %swap3A_796 = vector.shape_cast %swap3A_795 : vector<1x16xf32> to vector<16xf32>
      %swap3A_797 = vector.shape_cast %add3A_791 : vector<16xf32> to vector<1x16xf32>
      tpu.vector_store %arg8[%swap3A_793, %swap3A_794], %swap3A_797 {strides = array<i32>} : memref<32x16xf32, #tpu.memory_space<vmem>>, vector<1x16xf32>,
      %get3A_798 = arith.constant 18 : i32
      %get3A_799 = arith.index_cast %get3A_798 : i32 to index
      %get3A_800 = arith.constant 0 : index
      %get3A_801 = tpu.vector_load %arg8[%get3A_799, %get3A_800] {strides = array<i32>} : memref<32x16xf32, #tpu.memory_space<vmem>>, vector<1x16xf32>,
      %get3A_802 = vector.shape_cast %get3A_801 : vector<1x16xf32> to vector<16xf32>
      %lt3A_803 = arith.constant 0 : i32
      %lt3A_804 = vector.broadcast %lt3A_803 : i32 to vector<16xi32>
      %lt3A_805 = arith.cmpi slt, %broadcast_in_dim3A_335, %lt3A_804 : vector<16xi32>
      %add3A_806 = arith.constant 16 : i32
      %add3A_807 = vector.broadcast %add3A_806 : i32 to vector<16xi32>
      %add3A_808 = arith.addi %broadcast_in_dim3A_335, %add3A_807 : vector<16xi32>
      %select_n3A_809 = arith.select %lt3A_805, %add3A_808, %broadcast_in_dim3A_335 : vector<16xi1>, vector<16xi32>
      %broadcast_in_dim3A_810 = vector.shape_cast %select_n3A_809 : vector<16xi32> to vector<16x1xi32>
      %gather3A_811 = vector.shape_cast %broadcast_in_dim3A_810 : vector<16x1xi32> to vector<16xi32>
      %gather3A_812 = tpu.dynamic_gather %get3A_802[%gather3A_811] in [0] : vector<16xf32>, vector<16xi32> -> vector<16xf32>
      %max3A_813 = arith.constant 1.000000e+00 : f32
      %max3A_814 = vector.broadcast %max3A_813 : f32 to vector<16xf32>
      %max3A_815 = arith.maximumf %gather3A_812, %max3A_814 : vector<16xf32>
      %div3A_816 = arith.divf %get3A_802, %max3A_815 : vector<16xf32>
      %add3A_817 = arith.addf %div3A_816, %get3A_333 : vector<16xf32>
      %swap3A_818 = arith.constant 18 : i32
      %swap3A_819 = arith.index_cast %swap3A_818 : i32 to index
      %swap3A_820 = arith.constant 0 : index
      %swap3A_821 = tpu.vector_load %arg8[%swap3A_819, %swap3A_820] {strides = array<i32>} : memref<32x16xf32, #tpu.memory_space<vmem>>, vector<1x16xf32>,
      %swap3A_822 = vector.shape_cast %swap3A_821 : vector<1x16xf32> to vector<16xf32>
      %swap3A_823 = vector.shape_cast %add3A_817 : vector<16xf32> to vector<1x16xf32>
      tpu.vector_store %arg8[%swap3A_819, %swap3A_820], %swap3A_823 {strides = array<i32>} : memref<32x16xf32, #tpu.memory_space<vmem>>, vector<1x16xf32>,
      %get3A_824 = arith.constant 19 : i32
      %get3A_825 = arith.index_cast %get3A_824 : i32 to index
      %get3A_826 = arith.constant 0 : index
      %get3A_827 = tpu.vector_load %arg8[%get3A_825, %get3A_826] {strides = array<i32>} : memref<32x16xf32, #tpu.memory_space<vmem>>, vector<1x16xf32>,
      %get3A_828 = vector.shape_cast %get3A_827 : vector<1x16xf32> to vector<16xf32>
      %lt3A_829 = arith.constant 0 : i32
      %lt3A_830 = vector.broadcast %lt3A_829 : i32 to vector<16xi32>
      %lt3A_831 = arith.cmpi slt, %broadcast_in_dim3A_335, %lt3A_830 : vector<16xi32>
      %add3A_832 = arith.constant 16 : i32
      %add3A_833 = vector.broadcast %add3A_832 : i32 to vector<16xi32>
      %add3A_834 = arith.addi %broadcast_in_dim3A_335, %add3A_833 : vector<16xi32>
      %select_n3A_835 = arith.select %lt3A_831, %add3A_834, %broadcast_in_dim3A_335 : vector<16xi1>, vector<16xi32>
      %broadcast_in_dim3A_836 = vector.shape_cast %select_n3A_835 : vector<16xi32> to vector<16x1xi32>
      %gather3A_837 = vector.shape_cast %broadcast_in_dim3A_836 : vector<16x1xi32> to vector<16xi32>
      %gather3A_838 = tpu.dynamic_gather %get3A_828[%gather3A_837] in [0] : vector<16xf32>, vector<16xi32> -> vector<16xf32>
      %max3A_839 = arith.constant 1.000000e+00 : f32
      %max3A_840 = vector.broadcast %max3A_839 : f32 to vector<16xf32>
      %max3A_841 = arith.maximumf %gather3A_838, %max3A_840 : vector<16xf32>
      %div3A_842 = arith.divf %get3A_828, %max3A_841 : vector<16xf32>
      %add3A_843 = arith.addf %div3A_842, %get3A_333 : vector<16xf32>
      %swap3A_844 = arith.constant 19 : i32
      %swap3A_845 = arith.index_cast %swap3A_844 : i32 to index
      %swap3A_846 = arith.constant 0 : index
      %swap3A_847 = tpu.vector_load %arg8[%swap3A_845, %swap3A_846] {strides = array<i32>} : memref<32x16xf32, #tpu.memory_space<vmem>>, vector<1x16xf32>,
      %swap3A_848 = vector.shape_cast %swap3A_847 : vector<1x16xf32> to vector<16xf32>
      %swap3A_849 = vector.shape_cast %add3A_843 : vector<16xf32> to vector<1x16xf32>
      tpu.vector_store %arg8[%swap3A_845, %swap3A_846], %swap3A_849 {strides = array<i32>} : memref<32x16xf32, #tpu.memory_space<vmem>>, vector<1x16xf32>,
      %get3A_850 = arith.constant 20 : i32
      %get3A_851 = arith.index_cast %get3A_850 : i32 to index
      %get3A_852 = arith.constant 0 : index
      %get3A_853 = tpu.vector_load %arg8[%get3A_851, %get3A_852] {strides = array<i32>} : memref<32x16xf32, #tpu.memory_space<vmem>>, vector<1x16xf32>,
      %get3A_854 = vector.shape_cast %get3A_853 : vector<1x16xf32> to vector<16xf32>
      %lt3A_855 = arith.constant 0 : i32
      %lt3A_856 = vector.broadcast %lt3A_855 : i32 to vector<16xi32>
      %lt3A_857 = arith.cmpi slt, %broadcast_in_dim3A_335, %lt3A_856 : vector<16xi32>
      %add3A_858 = arith.constant 16 : i32
      %add3A_859 = vector.broadcast %add3A_858 : i32 to vector<16xi32>
      %add3A_860 = arith.addi %broadcast_in_dim3A_335, %add3A_859 : vector<16xi32>
      %select_n3A_861 = arith.select %lt3A_857, %add3A_860, %broadcast_in_dim3A_335 : vector<16xi1>, vector<16xi32>
      %broadcast_in_dim3A_862 = vector.shape_cast %select_n3A_861 : vector<16xi32> to vector<16x1xi32>
      %gather3A_863 = vector.shape_cast %broadcast_in_dim3A_862 : vector<16x1xi32> to vector<16xi32>
      %gather3A_864 = tpu.dynamic_gather %get3A_854[%gather3A_863] in [0] : vector<16xf32>, vector<16xi32> -> vector<16xf32>
      %max3A_865 = arith.constant 1.000000e+00 : f32
      %max3A_866 = vector.broadcast %max3A_865 : f32 to vector<16xf32>
      %max3A_867 = arith.maximumf %gather3A_864, %max3A_866 : vector<16xf32>
      %div3A_868 = arith.divf %get3A_854, %max3A_867 : vector<16xf32>
      %add3A_869 = arith.addf %div3A_868, %get3A_333 : vector<16xf32>
      %swap3A_870 = arith.constant 20 : i32
      %swap3A_871 = arith.index_cast %swap3A_870 : i32 to index
      %swap3A_872 = arith.constant 0 : index
      %swap3A_873 = tpu.vector_load %arg8[%swap3A_871, %swap3A_872] {strides = array<i32>} : memref<32x16xf32, #tpu.memory_space<vmem>>, vector<1x16xf32>,
      %swap3A_874 = vector.shape_cast %swap3A_873 : vector<1x16xf32> to vector<16xf32>
      %swap3A_875 = vector.shape_cast %add3A_869 : vector<16xf32> to vector<1x16xf32>
      tpu.vector_store %arg8[%swap3A_871, %swap3A_872], %swap3A_875 {strides = array<i32>} : memref<32x16xf32, #tpu.memory_space<vmem>>, vector<1x16xf32>,
      %get3A_876 = arith.constant 21 : i32
      %get3A_877 = arith.index_cast %get3A_876 : i32 to index
      %get3A_878 = arith.constant 0 : index
      %get3A_879 = tpu.vector_load %arg8[%get3A_877, %get3A_878] {strides = array<i32>} : memref<32x16xf32, #tpu.memory_space<vmem>>, vector<1x16xf32>,
      %get3A_880 = vector.shape_cast %get3A_879 : vector<1x16xf32> to vector<16xf32>
      %lt3A_881 = arith.constant 0 : i32
      %lt3A_882 = vector.broadcast %lt3A_881 : i32 to vector<16xi32>
      %lt3A_883 = arith.cmpi slt, %broadcast_in_dim3A_335, %lt3A_882 : vector<16xi32>
      %add3A_884 = arith.constant 16 : i32
      %add3A_885 = vector.broadcast %add3A_884 : i32 to vector<16xi32>
      %add3A_886 = arith.addi %broadcast_in_dim3A_335, %add3A_885 : vector<16xi32>
      %select_n3A_887 = arith.select %lt3A_883, %add3A_886, %broadcast_in_dim3A_335 : vector<16xi1>, vector<16xi32>
      %broadcast_in_dim3A_888 = vector.shape_cast %select_n3A_887 : vector<16xi32> to vector<16x1xi32>
      %gather3A_889 = vector.shape_cast %broadcast_in_dim3A_888 : vector<16x1xi32> to vector<16xi32>
      %gather3A_890 = tpu.dynamic_gather %get3A_880[%gather3A_889] in [0] : vector<16xf32>, vector<16xi32> -> vector<16xf32>
      %max3A_891 = arith.constant 1.000000e+00 : f32
      %max3A_892 = vector.broadcast %max3A_891 : f32 to vector<16xf32>
      %max3A_893 = arith.maximumf %gather3A_890, %max3A_892 : vector<16xf32>
      %div3A_894 = arith.divf %get3A_880, %max3A_893 : vector<16xf32>
      %add3A_895 = arith.addf %div3A_894, %get3A_333 : vector<16xf32>
      %swap3A_896 = arith.constant 21 : i32
      %swap3A_897 = arith.index_cast %swap3A_896 : i32 to index
      %swap3A_898 = arith.constant 0 : index
      %swap3A_899 = tpu.vector_load %arg8[%swap3A_897, %swap3A_898] {strides = array<i32>} : memref<32x16xf32, #tpu.memory_space<vmem>>, vector<1x16xf32>,
      %swap3A_900 = vector.shape_cast %swap3A_899 : vector<1x16xf32> to vector<16xf32>
      %swap3A_901 = vector.shape_cast %add3A_895 : vector<16xf32> to vector<1x16xf32>
      tpu.vector_store %arg8[%swap3A_897, %swap3A_898], %swap3A_901 {strides = array<i32>} : memref<32x16xf32, #tpu.memory_space<vmem>>, vector<1x16xf32>,
      %get3A_902 = arith.constant 22 : i32
      %get3A_903 = arith.index_cast %get3A_902 : i32 to index
      %get3A_904 = arith.constant 0 : index
      %get3A_905 = tpu.vector_load %arg8[%get3A_903, %get3A_904] {strides = array<i32>} : memref<32x16xf32, #tpu.memory_space<vmem>>, vector<1x16xf32>,
      %get3A_906 = vector.shape_cast %get3A_905 : vector<1x16xf32> to vector<16xf32>
      %lt3A_907 = arith.constant 0 : i32
      %lt3A_908 = vector.broadcast %lt3A_907 : i32 to vector<16xi32>
      %lt3A_909 = arith.cmpi slt, %broadcast_in_dim3A_335, %lt3A_908 : vector<16xi32>
      %add3A_910 = arith.constant 16 : i32
      %add3A_911 = vector.broadcast %add3A_910 : i32 to vector<16xi32>
      %add3A_912 = arith.addi %broadcast_in_dim3A_335, %add3A_911 : vector<16xi32>
      %select_n3A_913 = arith.select %lt3A_909, %add3A_912, %broadcast_in_dim3A_335 : vector<16xi1>, vector<16xi32>
      %broadcast_in_dim3A_914 = vector.shape_cast %select_n3A_913 : vector<16xi32> to vector<16x1xi32>
      %gather3A_915 = vector.shape_cast %broadcast_in_dim3A_914 : vector<16x1xi32> to vector<16xi32>
      %gather3A_916 = tpu.dynamic_gather %get3A_906[%gather3A_915] in [0] : vector<16xf32>, vector<16xi32> -> vector<16xf32>
      %max3A_917 = arith.constant 1.000000e+00 : f32
      %max3A_918 = vector.broadcast %max3A_917 : f32 to vector<16xf32>
      %max3A_919 = arith.maximumf %gather3A_916, %max3A_918 : vector<16xf32>
      %div3A_920 = arith.divf %get3A_906, %max3A_919 : vector<16xf32>
      %add3A_921 = arith.addf %div3A_920, %get3A_333 : vector<16xf32>
      %swap3A_922 = arith.constant 22 : i32
      %swap3A_923 = arith.index_cast %swap3A_922 : i32 to index
      %swap3A_924 = arith.constant 0 : index
      %swap3A_925 = tpu.vector_load %arg8[%swap3A_923, %swap3A_924] {strides = array<i32>} : memref<32x16xf32, #tpu.memory_space<vmem>>, vector<1x16xf32>,
      %swap3A_926 = vector.shape_cast %swap3A_925 : vector<1x16xf32> to vector<16xf32>
      %swap3A_927 = vector.shape_cast %add3A_921 : vector<16xf32> to vector<1x16xf32>
      tpu.vector_store %arg8[%swap3A_923, %swap3A_924], %swap3A_927 {strides = array<i32>} : memref<32x16xf32, #tpu.memory_space<vmem>>, vector<1x16xf32>,
      %get3A_928 = arith.constant 23 : i32
      %get3A_929 = arith.index_cast %get3A_928 : i32 to index
      %get3A_930 = arith.constant 0 : index
      %get3A_931 = tpu.vector_load %arg8[%get3A_929, %get3A_930] {strides = array<i32>} : memref<32x16xf32, #tpu.memory_space<vmem>>, vector<1x16xf32>,
      %get3A_932 = vector.shape_cast %get3A_931 : vector<1x16xf32> to vector<16xf32>
      %lt3A_933 = arith.constant 0 : i32
      %lt3A_934 = vector.broadcast %lt3A_933 : i32 to vector<16xi32>
      %lt3A_935 = arith.cmpi slt, %broadcast_in_dim3A_335, %lt3A_934 : vector<16xi32>
      %add3A_936 = arith.constant 16 : i32
      %add3A_937 = vector.broadcast %add3A_936 : i32 to vector<16xi32>
      %add3A_938 = arith.addi %broadcast_in_dim3A_335, %add3A_937 : vector<16xi32>
      %select_n3A_939 = arith.select %lt3A_935, %add3A_938, %broadcast_in_dim3A_335 : vector<16xi1>, vector<16xi32>
      %broadcast_in_dim3A_940 = vector.shape_cast %select_n3A_939 : vector<16xi32> to vector<16x1xi32>
      %gather3A_941 = vector.shape_cast %broadcast_in_dim3A_940 : vector<16x1xi32> to vector<16xi32>
      %gather3A_942 = tpu.dynamic_gather %get3A_932[%gather3A_941] in [0] : vector<16xf32>, vector<16xi32> -> vector<16xf32>
      %max3A_943 = arith.constant 1.000000e+00 : f32
      %max3A_944 = vector.broadcast %max3A_943 : f32 to vector<16xf32>
      %max3A_945 = arith.maximumf %gather3A_942, %max3A_944 : vector<16xf32>
      %div3A_946 = arith.divf %get3A_932, %max3A_945 : vector<16xf32>
      %add3A_947 = arith.addf %div3A_946, %get3A_333 : vector<16xf32>
      %swap3A_948 = arith.constant 23 : i32
      %swap3A_949 = arith.index_cast %swap3A_948 : i32 to index
      %swap3A_950 = arith.constant 0 : index
      %swap3A_951 = tpu.vector_load %arg8[%swap3A_949, %swap3A_950] {strides = array<i32>} : memref<32x16xf32, #tpu.memory_space<vmem>>, vector<1x16xf32>,
      %swap3A_952 = vector.shape_cast %swap3A_951 : vector<1x16xf32> to vector<16xf32>
      %swap3A_953 = vector.shape_cast %add3A_947 : vector<16xf32> to vector<1x16xf32>
      tpu.vector_store %arg8[%swap3A_949, %swap3A_950], %swap3A_953 {strides = array<i32>} : memref<32x16xf32, #tpu.memory_space<vmem>>, vector<1x16xf32>,
      %get3A_954 = arith.constant 24 : i32
      %get3A_955 = arith.index_cast %get3A_954 : i32 to index
      %get3A_956 = arith.constant 0 : index
      %get3A_957 = tpu.vector_load %arg8[%get3A_955, %get3A_956] {strides = array<i32>} : memref<32x16xf32, #tpu.memory_space<vmem>>, vector<1x16xf32>,
      %get3A_958 = vector.shape_cast %get3A_957 : vector<1x16xf32> to vector<16xf32>
      %lt3A_959 = arith.constant 0 : i32
      %lt3A_960 = vector.broadcast %lt3A_959 : i32 to vector<16xi32>
      %lt3A_961 = arith.cmpi slt, %broadcast_in_dim3A_335, %lt3A_960 : vector<16xi32>
      %add3A_962 = arith.constant 16 : i32
      %add3A_963 = vector.broadcast %add3A_962 : i32 to vector<16xi32>
      %add3A_964 = arith.addi %broadcast_in_dim3A_335, %add3A_963 : vector<16xi32>
      %select_n3A_965 = arith.select %lt3A_961, %add3A_964, %broadcast_in_dim3A_335 : vector<16xi1>, vector<16xi32>
      %broadcast_in_dim3A_966 = vector.shape_cast %select_n3A_965 : vector<16xi32> to vector<16x1xi32>
      %gather3A_967 = vector.shape_cast %broadcast_in_dim3A_966 : vector<16x1xi32> to vector<16xi32>
      %gather3A_968 = tpu.dynamic_gather %get3A_958[%gather3A_967] in [0] : vector<16xf32>, vector<16xi32> -> vector<16xf32>
      %max3A_969 = arith.constant 1.000000e+00 : f32
      %max3A_970 = vector.broadcast %max3A_969 : f32 to vector<16xf32>
      %max3A_971 = arith.maximumf %gather3A_968, %max3A_970 : vector<16xf32>
      %div3A_972 = arith.divf %get3A_958, %max3A_971 : vector<16xf32>
      %add3A_973 = arith.addf %div3A_972, %get3A_333 : vector<16xf32>
      %swap3A_974 = arith.constant 24 : i32
      %swap3A_975 = arith.index_cast %swap3A_974 : i32 to index
      %swap3A_976 = arith.constant 0 : index
      %swap3A_977 = tpu.vector_load %arg8[%swap3A_975, %swap3A_976] {strides = array<i32>} : memref<32x16xf32, #tpu.memory_space<vmem>>, vector<1x16xf32>,
      %swap3A_978 = vector.shape_cast %swap3A_977 : vector<1x16xf32> to vector<16xf32>
      %swap3A_979 = vector.shape_cast %add3A_973 : vector<16xf32> to vector<1x16xf32>
      tpu.vector_store %arg8[%swap3A_975, %swap3A_976], %swap3A_979 {strides = array<i32>} : memref<32x16xf32, #tpu.memory_space<vmem>>, vector<1x16xf32>,
      %get3A_980 = arith.constant 25 : i32
      %get3A_981 = arith.index_cast %get3A_980 : i32 to index
      %get3A_982 = arith.constant 0 : index
      %get3A_983 = tpu.vector_load %arg8[%get3A_981, %get3A_982] {strides = array<i32>} : memref<32x16xf32, #tpu.memory_space<vmem>>, vector<1x16xf32>,
      %get3A_984 = vector.shape_cast %get3A_983 : vector<1x16xf32> to vector<16xf32>
      %lt3A_985 = arith.constant 0 : i32
      %lt3A_986 = vector.broadcast %lt3A_985 : i32 to vector<16xi32>
      %lt3A_987 = arith.cmpi slt, %broadcast_in_dim3A_335, %lt3A_986 : vector<16xi32>
      %add3A_988 = arith.constant 16 : i32
      %add3A_989 = vector.broadcast %add3A_988 : i32 to vector<16xi32>
      %add3A_990 = arith.addi %broadcast_in_dim3A_335, %add3A_989 : vector<16xi32>
      %select_n3A_991 = arith.select %lt3A_987, %add3A_990, %broadcast_in_dim3A_335 : vector<16xi1>, vector<16xi32>
      %broadcast_in_dim3A_992 = vector.shape_cast %select_n3A_991 : vector<16xi32> to vector<16x1xi32>
      %gather3A_993 = vector.shape_cast %broadcast_in_dim3A_992 : vector<16x1xi32> to vector<16xi32>
      %gather3A_994 = tpu.dynamic_gather %get3A_984[%gather3A_993] in [0] : vector<16xf32>, vector<16xi32> -> vector<16xf32>
      %max3A_995 = arith.constant 1.000000e+00 : f32
      %max3A_996 = vector.broadcast %max3A_995 : f32 to vector<16xf32>
      %max3A_997 = arith.maximumf %gather3A_994, %max3A_996 : vector<16xf32>
      %div3A_998 = arith.divf %get3A_984, %max3A_997 : vector<16xf32>
      %add3A_999 = arith.addf %div3A_998, %get3A_333 : vector<16xf32>
      %swap3A_1000 = arith.constant 25 : i32
      %swap3A_1001 = arith.index_cast %swap3A_1000 : i32 to index
      %swap3A_1002 = arith.constant 0 : index
      %swap3A_1003 = tpu.vector_load %arg8[%swap3A_1001, %swap3A_1002] {strides = array<i32>} : memref<32x16xf32, #tpu.memory_space<vmem>>, vector<1x16xf32>,
      %swap3A_1004 = vector.shape_cast %swap3A_1003 : vector<1x16xf32> to vector<16xf32>
      %swap3A_1005 = vector.shape_cast %add3A_999 : vector<16xf32> to vector<1x16xf32>
      tpu.vector_store %arg8[%swap3A_1001, %swap3A_1002], %swap3A_1005 {strides = array<i32>} : memref<32x16xf32, #tpu.memory_space<vmem>>, vector<1x16xf32>,
      %get3A_1006 = arith.constant 26 : i32
      %get3A_1007 = arith.index_cast %get3A_1006 : i32 to index
      %get3A_1008 = arith.constant 0 : index
      %get3A_1009 = tpu.vector_load %arg8[%get3A_1007, %get3A_1008] {strides = array<i32>} : memref<32x16xf32, #tpu.memory_space<vmem>>, vector<1x16xf32>,
      %get3A_1010 = vector.shape_cast %get3A_1009 : vector<1x16xf32> to vector<16xf32>
      %lt3A_1011 = arith.constant 0 : i32
      %lt3A_1012 = vector.broadcast %lt3A_1011 : i32 to vector<16xi32>
      %lt3A_1013 = arith.cmpi slt, %broadcast_in_dim3A_335, %lt3A_1012 : vector<16xi32>
      %add3A_1014 = arith.constant 16 : i32
      %add3A_1015 = vector.broadcast %add3A_1014 : i32 to vector<16xi32>
      %add3A_1016 = arith.addi %broadcast_in_dim3A_335, %add3A_1015 : vector<16xi32>
      %select_n3A_1017 = arith.select %lt3A_1013, %add3A_1016, %broadcast_in_dim3A_335 : vector<16xi1>, vector<16xi32>
      %broadcast_in_dim3A_1018 = vector.shape_cast %select_n3A_1017 : vector<16xi32> to vector<16x1xi32>
      %gather3A_1019 = vector.shape_cast %broadcast_in_dim3A_1018 : vector<16x1xi32> to vector<16xi32>
      %gather3A_1020 = tpu.dynamic_gather %get3A_1010[%gather3A_1019] in [0] : vector<16xf32>, vector<16xi32> -> vector<16xf32>
      %max3A_1021 = arith.constant 1.000000e+00 : f32
      %max3A_1022 = vector.broadcast %max3A_1021 : f32 to vector<16xf32>
      %max3A_1023 = arith.maximumf %gather3A_1020, %max3A_1022 : vector<16xf32>
      %div3A_1024 = arith.divf %get3A_1010, %max3A_1023 : vector<16xf32>
      %add3A_1025 = arith.addf %div3A_1024, %get3A_333 : vector<16xf32>
      %swap3A_1026 = arith.constant 26 : i32
      %swap3A_1027 = arith.index_cast %swap3A_1026 : i32 to index
      %swap3A_1028 = arith.constant 0 : index
      %swap3A_1029 = tpu.vector_load %arg8[%swap3A_1027, %swap3A_1028] {strides = array<i32>} : memref<32x16xf32, #tpu.memory_space<vmem>>, vector<1x16xf32>,
      %swap3A_1030 = vector.shape_cast %swap3A_1029 : vector<1x16xf32> to vector<16xf32>
      %swap3A_1031 = vector.shape_cast %add3A_1025 : vector<16xf32> to vector<1x16xf32>
      tpu.vector_store %arg8[%swap3A_1027, %swap3A_1028], %swap3A_1031 {strides = array<i32>} : memref<32x16xf32, #tpu.memory_space<vmem>>, vector<1x16xf32>,
      %get3A_1032 = arith.constant 27 : i32
      %get3A_1033 = arith.index_cast %get3A_1032 : i32 to index
      %get3A_1034 = arith.constant 0 : index
      %get3A_1035 = tpu.vector_load %arg8[%get3A_1033, %get3A_1034] {strides = array<i32>} : memref<32x16xf32, #tpu.memory_space<vmem>>, vector<1x16xf32>,
      %get3A_1036 = vector.shape_cast %get3A_1035 : vector<1x16xf32> to vector<16xf32>
      %lt3A_1037 = arith.constant 0 : i32
      %lt3A_1038 = vector.broadcast %lt3A_1037 : i32 to vector<16xi32>
      %lt3A_1039 = arith.cmpi slt, %broadcast_in_dim3A_335, %lt3A_1038 : vector<16xi32>
      %add3A_1040 = arith.constant 16 : i32
      %add3A_1041 = vector.broadcast %add3A_1040 : i32 to vector<16xi32>
      %add3A_1042 = arith.addi %broadcast_in_dim3A_335, %add3A_1041 : vector<16xi32>
      %select_n3A_1043 = arith.select %lt3A_1039, %add3A_1042, %broadcast_in_dim3A_335 : vector<16xi1>, vector<16xi32>
      %broadcast_in_dim3A_1044 = vector.shape_cast %select_n3A_1043 : vector<16xi32> to vector<16x1xi32>
      %gather3A_1045 = vector.shape_cast %broadcast_in_dim3A_1044 : vector<16x1xi32> to vector<16xi32>
      %gather3A_1046 = tpu.dynamic_gather %get3A_1036[%gather3A_1045] in [0] : vector<16xf32>, vector<16xi32> -> vector<16xf32>
      %max3A_1047 = arith.constant 1.000000e+00 : f32
      %max3A_1048 = vector.broadcast %max3A_1047 : f32 to vector<16xf32>
      %max3A_1049 = arith.maximumf %gather3A_1046, %max3A_1048 : vector<16xf32>
      %div3A_1050 = arith.divf %get3A_1036, %max3A_1049 : vector<16xf32>
      %add3A_1051 = arith.addf %div3A_1050, %get3A_333 : vector<16xf32>
      %swap3A_1052 = arith.constant 27 : i32
      %swap3A_1053 = arith.index_cast %swap3A_1052 : i32 to index
      %swap3A_1054 = arith.constant 0 : index
      %swap3A_1055 = tpu.vector_load %arg8[%swap3A_1053, %swap3A_1054] {strides = array<i32>} : memref<32x16xf32, #tpu.memory_space<vmem>>, vector<1x16xf32>,
      %swap3A_1056 = vector.shape_cast %swap3A_1055 : vector<1x16xf32> to vector<16xf32>
      %swap3A_1057 = vector.shape_cast %add3A_1051 : vector<16xf32> to vector<1x16xf32>
      tpu.vector_store %arg8[%swap3A_1053, %swap3A_1054], %swap3A_1057 {strides = array<i32>} : memref<32x16xf32, #tpu.memory_space<vmem>>, vector<1x16xf32>,
      %get3A_1058 = arith.constant 28 : i32
      %get3A_1059 = arith.index_cast %get3A_1058 : i32 to index
      %get3A_1060 = arith.constant 0 : index
      %get3A_1061 = tpu.vector_load %arg8[%get3A_1059, %get3A_1060] {strides = array<i32>} : memref<32x16xf32, #tpu.memory_space<vmem>>, vector<1x16xf32>,
      %get3A_1062 = vector.shape_cast %get3A_1061 : vector<1x16xf32> to vector<16xf32>
      %lt3A_1063 = arith.constant 0 : i32
      %lt3A_1064 = vector.broadcast %lt3A_1063 : i32 to vector<16xi32>
      %lt3A_1065 = arith.cmpi slt, %broadcast_in_dim3A_335, %lt3A_1064 : vector<16xi32>
      %add3A_1066 = arith.constant 16 : i32
      %add3A_1067 = vector.broadcast %add3A_1066 : i32 to vector<16xi32>
      %add3A_1068 = arith.addi %broadcast_in_dim3A_335, %add3A_1067 : vector<16xi32>
      %select_n3A_1069 = arith.select %lt3A_1065, %add3A_1068, %broadcast_in_dim3A_335 : vector<16xi1>, vector<16xi32>
      %broadcast_in_dim3A_1070 = vector.shape_cast %select_n3A_1069 : vector<16xi32> to vector<16x1xi32>
      %gather3A_1071 = vector.shape_cast %broadcast_in_dim3A_1070 : vector<16x1xi32> to vector<16xi32>
      %gather3A_1072 = tpu.dynamic_gather %get3A_1062[%gather3A_1071] in [0] : vector<16xf32>, vector<16xi32> -> vector<16xf32>
      %max3A_1073 = arith.constant 1.000000e+00 : f32
      %max3A_1074 = vector.broadcast %max3A_1073 : f32 to vector<16xf32>
      %max3A_1075 = arith.maximumf %gather3A_1072, %max3A_1074 : vector<16xf32>
      %div3A_1076 = arith.divf %get3A_1062, %max3A_1075 : vector<16xf32>
      %add3A_1077 = arith.addf %div3A_1076, %get3A_333 : vector<16xf32>
      %swap3A_1078 = arith.constant 28 : i32
      %swap3A_1079 = arith.index_cast %swap3A_1078 : i32 to index
      %swap3A_1080 = arith.constant 0 : index
      %swap3A_1081 = tpu.vector_load %arg8[%swap3A_1079, %swap3A_1080] {strides = array<i32>} : memref<32x16xf32, #tpu.memory_space<vmem>>, vector<1x16xf32>,
      %swap3A_1082 = vector.shape_cast %swap3A_1081 : vector<1x16xf32> to vector<16xf32>
      %swap3A_1083 = vector.shape_cast %add3A_1077 : vector<16xf32> to vector<1x16xf32>
      tpu.vector_store %arg8[%swap3A_1079, %swap3A_1080], %swap3A_1083 {strides = array<i32>} : memref<32x16xf32, #tpu.memory_space<vmem>>, vector<1x16xf32>,
      %get3A_1084 = arith.constant 29 : i32
      %get3A_1085 = arith.index_cast %get3A_1084 : i32 to index
      %get3A_1086 = arith.constant 0 : index
      %get3A_1087 = tpu.vector_load %arg8[%get3A_1085, %get3A_1086] {strides = array<i32>} : memref<32x16xf32, #tpu.memory_space<vmem>>, vector<1x16xf32>,
      %get3A_1088 = vector.shape_cast %get3A_1087 : vector<1x16xf32> to vector<16xf32>
      %lt3A_1089 = arith.constant 0 : i32
      %lt3A_1090 = vector.broadcast %lt3A_1089 : i32 to vector<16xi32>
      %lt3A_1091 = arith.cmpi slt, %broadcast_in_dim3A_335, %lt3A_1090 : vector<16xi32>
      %add3A_1092 = arith.constant 16 : i32
      %add3A_1093 = vector.broadcast %add3A_1092 : i32 to vector<16xi32>
      %add3A_1094 = arith.addi %broadcast_in_dim3A_335, %add3A_1093 : vector<16xi32>
      %select_n3A_1095 = arith.select %lt3A_1091, %add3A_1094, %broadcast_in_dim3A_335 : vector<16xi1>, vector<16xi32>
      %broadcast_in_dim3A_1096 = vector.shape_cast %select_n3A_1095 : vector<16xi32> to vector<16x1xi32>
      %gather3A_1097 = vector.shape_cast %broadcast_in_dim3A_1096 : vector<16x1xi32> to vector<16xi32>
      %gather3A_1098 = tpu.dynamic_gather %get3A_1088[%gather3A_1097] in [0] : vector<16xf32>, vector<16xi32> -> vector<16xf32>
      %max3A_1099 = arith.constant 1.000000e+00 : f32
      %max3A_1100 = vector.broadcast %max3A_1099 : f32 to vector<16xf32>
      %max3A_1101 = arith.maximumf %gather3A_1098, %max3A_1100 : vector<16xf32>
      %div3A_1102 = arith.divf %get3A_1088, %max3A_1101 : vector<16xf32>
      %add3A_1103 = arith.addf %div3A_1102, %get3A_333 : vector<16xf32>
      %swap3A_1104 = arith.constant 29 : i32
      %swap3A_1105 = arith.index_cast %swap3A_1104 : i32 to index
      %swap3A_1106 = arith.constant 0 : index
      %swap3A_1107 = tpu.vector_load %arg8[%swap3A_1105, %swap3A_1106] {strides = array<i32>} : memref<32x16xf32, #tpu.memory_space<vmem>>, vector<1x16xf32>,
      %swap3A_1108 = vector.shape_cast %swap3A_1107 : vector<1x16xf32> to vector<16xf32>
      %swap3A_1109 = vector.shape_cast %add3A_1103 : vector<16xf32> to vector<1x16xf32>
      tpu.vector_store %arg8[%swap3A_1105, %swap3A_1106], %swap3A_1109 {strides = array<i32>} : memref<32x16xf32, #tpu.memory_space<vmem>>, vector<1x16xf32>,
      %get3A_1110 = arith.constant 30 : i32
      %get3A_1111 = arith.index_cast %get3A_1110 : i32 to index
      %get3A_1112 = arith.constant 0 : index
      %get3A_1113 = tpu.vector_load %arg8[%get3A_1111, %get3A_1112] {strides = array<i32>} : memref<32x16xf32, #tpu.memory_space<vmem>>, vector<1x16xf32>,
      %get3A_1114 = vector.shape_cast %get3A_1113 : vector<1x16xf32> to vector<16xf32>
      %lt3A_1115 = arith.constant 0 : i32
      %lt3A_1116 = vector.broadcast %lt3A_1115 : i32 to vector<16xi32>
      %lt3A_1117 = arith.cmpi slt, %broadcast_in_dim3A_335, %lt3A_1116 : vector<16xi32>
      %add3A_1118 = arith.constant 16 : i32
      %add3A_1119 = vector.broadcast %add3A_1118 : i32 to vector<16xi32>
      %add3A_1120 = arith.addi %broadcast_in_dim3A_335, %add3A_1119 : vector<16xi32>
      %select_n3A_1121 = arith.select %lt3A_1117, %add3A_1120, %broadcast_in_dim3A_335 : vector<16xi1>, vector<16xi32>
      %broadcast_in_dim3A_1122 = vector.shape_cast %select_n3A_1121 : vector<16xi32> to vector<16x1xi32>
      %gather3A_1123 = vector.shape_cast %broadcast_in_dim3A_1122 : vector<16x1xi32> to vector<16xi32>
      %gather3A_1124 = tpu.dynamic_gather %get3A_1114[%gather3A_1123] in [0] : vector<16xf32>, vector<16xi32> -> vector<16xf32>
      %max3A_1125 = arith.constant 1.000000e+00 : f32
      %max3A_1126 = vector.broadcast %max3A_1125 : f32 to vector<16xf32>
      %max3A_1127 = arith.maximumf %gather3A_1124, %max3A_1126 : vector<16xf32>
      %div3A_1128 = arith.divf %get3A_1114, %max3A_1127 : vector<16xf32>
      %add3A_1129 = arith.addf %div3A_1128, %get3A_333 : vector<16xf32>
      %swap3A_1130 = arith.constant 30 : i32
      %swap3A_1131 = arith.index_cast %swap3A_1130 : i32 to index
      %swap3A_1132 = arith.constant 0 : index
      %swap3A_1133 = tpu.vector_load %arg8[%swap3A_1131, %swap3A_1132] {strides = array<i32>} : memref<32x16xf32, #tpu.memory_space<vmem>>, vector<1x16xf32>,
      %swap3A_1134 = vector.shape_cast %swap3A_1133 : vector<1x16xf32> to vector<16xf32>
      %swap3A_1135 = vector.shape_cast %add3A_1129 : vector<16xf32> to vector<1x16xf32>
      tpu.vector_store %arg8[%swap3A_1131, %swap3A_1132], %swap3A_1135 {strides = array<i32>} : memref<32x16xf32, #tpu.memory_space<vmem>>, vector<1x16xf32>,
      %get3A_1136 = arith.constant 31 : i32
      %get3A_1137 = arith.index_cast %get3A_1136 : i32 to index
      %get3A_1138 = arith.constant 0 : index
      %get3A_1139 = tpu.vector_load %arg8[%get3A_1137, %get3A_1138] {strides = array<i32>} : memref<32x16xf32, #tpu.memory_space<vmem>>, vector<1x16xf32>,
      %get3A_1140 = vector.shape_cast %get3A_1139 : vector<1x16xf32> to vector<16xf32>
      %lt3A_1141 = arith.constant 0 : i32
      %lt3A_1142 = vector.broadcast %lt3A_1141 : i32 to vector<16xi32>
      %lt3A_1143 = arith.cmpi slt, %broadcast_in_dim3A_335, %lt3A_1142 : vector<16xi32>
      %add3A_1144 = arith.constant 16 : i32
      %add3A_1145 = vector.broadcast %add3A_1144 : i32 to vector<16xi32>
      %add3A_1146 = arith.addi %broadcast_in_dim3A_335, %add3A_1145 : vector<16xi32>
      %select_n3A_1147 = arith.select %lt3A_1143, %add3A_1146, %broadcast_in_dim3A_335 : vector<16xi1>, vector<16xi32>
      %broadcast_in_dim3A_1148 = vector.shape_cast %select_n3A_1147 : vector<16xi32> to vector<16x1xi32>
      %gather3A_1149 = vector.shape_cast %broadcast_in_dim3A_1148 : vector<16x1xi32> to vector<16xi32>
      %gather3A_1150 = tpu.dynamic_gather %get3A_1140[%gather3A_1149] in [0] : vector<16xf32>, vector<16xi32> -> vector<16xf32>
      %max3A_1151 = arith.constant 1.000000e+00 : f32
      %max3A_1152 = vector.broadcast %max3A_1151 : f32 to vector<16xf32>
      %max3A_1153 = arith.maximumf %gather3A_1150, %max3A_1152 : vector<16xf32>
      %div3A_1154 = arith.divf %get3A_1140, %max3A_1153 : vector<16xf32>
      %add3A_1155 = arith.addf %div3A_1154, %get3A_333 : vector<16xf32>
      %swap3A_1156 = arith.constant 31 : i32
      %swap3A_1157 = arith.index_cast %swap3A_1156 : i32 to index
      %swap3A_1158 = arith.constant 0 : index
      %swap3A_1159 = tpu.vector_load %arg8[%swap3A_1157, %swap3A_1158] {strides = array<i32>} : memref<32x16xf32, #tpu.memory_space<vmem>>, vector<1x16xf32>,
      %swap3A_1160 = vector.shape_cast %swap3A_1159 : vector<1x16xf32> to vector<16xf32>
      %swap3A_1161 = vector.shape_cast %add3A_1155 : vector<16xf32> to vector<1x16xf32>
      tpu.vector_store %arg8[%swap3A_1157, %swap3A_1158], %swap3A_1161 {strides = array<i32>} : memref<32x16xf32, #tpu.memory_space<vmem>>, vector<1x16xf32>,
      %mul3A_1162 = arith.constant 32 : i32
      %mul3A_1163 = arith.muli %arg1, %mul3A_1162 : i32
      "tpu.region"() ({
        %run_scoped3A = tpu.sem_alloc : memref<!tpu.dma_semaphore, #tpu.memory_space<semaphore_mem>>
        %dma_start3A = arith.constant 0 : i32
        %dma_start3A_1164 = tpu.memref_slice %arg5[%mul3A_1163, %dma_start3A] : memref<512x16xf32, #tpu.memory_space<hbm>> -> memref<32x16xf32, #tpu.memory_space<hbm>>
        %dma_start3A_1165 = arith.constant 0 : i32
        %dma_start3A_1166 = tpu.memref_slice %arg5[%mul3A_1163, %dma_start3A_1165] : memref<512x16xf32, #tpu.memory_space<hbm>> -> memref<32x16xf32, #tpu.memory_space<hbm>>
        tpu.enqueue_dma source(%arg8 : memref<32x16xf32, #tpu.memory_space<vmem>>) target(%dma_start3A_1166 : memref<32x16xf32, #tpu.memory_space<hbm>>) target_semaphore(%run_scoped3A : memref<!tpu.dma_semaphore, #tpu.memory_space<semaphore_mem>>)
        %dma_wait3A = arith.constant 0 : i32
        %dma_wait3A_1167 = tpu.memref_slice %arg5[%mul3A_1163, %dma_wait3A] : memref<512x16xf32, #tpu.memory_space<hbm>> -> memref<32x16xf32, #tpu.memory_space<hbm>>
        %dma_wait3A_1168 = arith.constant 0 : i32
        %dma_wait3A_1169 = tpu.memref_slice %arg5[%mul3A_1163, %dma_wait3A_1168] : memref<512x16xf32, #tpu.memory_space<hbm>> -> memref<32x16xf32, #tpu.memory_space<hbm>>
        tpu.wait_dma2 semaphore(%run_scoped3A : memref<!tpu.dma_semaphore, #tpu.memory_space<semaphore_mem>>) src(%arg8 : memref<32x16xf32, #tpu.memory_space<vmem>>) dst(%dma_wait3A_1169 : memref<32x16xf32, #tpu.memory_space<hbm>>)
        tpu.yield
      }) : () -> ()
    } else {
    }
    return
  }
}

module attributes {stable_mosaic.version = 14 : i64} {
  func.func @_mm_body(%arg0: i32, %arg1: memref<3136x128xf32, #tpu.memory_space<vmem>>, %arg2: memref<128x16xf32, #tpu.memory_space<vmem>>, %arg3: memref<392x128xf32, #tpu.memory_space<vmem>>) attributes {dimension_semantics = [#tpu.dimension_semantics<arbitrary>], iteration_bounds = array<i64: 32>, scalar_prefetch = 0 : i64, scratch_operands = 0 : i64, tpu.core_type = #tpu.core_type<tc>, window_params = [{transform_indices = @transform_0, window_bounds = array<i64: 3136, 128>}, {pipeline_mode = #tpu.pipeline_mode<synchronous>, transform_indices = @transform_1, window_bounds = array<i64: 128, 16>}, {transform_indices = @transform_2, window_bounds = array<i64: 392, 128>}]} {
    %get3A = arith.constant 0 : index
    %get3A_0 = arith.constant 0 : index
    %get3A_1 = vector.load %arg1[%get3A, %get3A_0] : memref<3136x128xf32, #tpu.memory_space<vmem>>, vector<3136x128xf32>
    %get3A_2 = arith.constant 0 : index
    %get3A_3 = arith.constant 0 : index
    %get3A_4 = vector.load %arg2[%get3A_2, %get3A_3] : memref<128x16xf32, #tpu.memory_space<vmem>>, vector<128x16xf32>
    %dot_general3A = arith.constant dense<0.000000e+00> : vector<3136x16xf32>
    %dot_general3A_5 = tpu.matmul %get3A_1, %get3A_4, %dot_general3A {dimension_numbers = #tpu.dot_dimension_numbers<[1], [0], [0], [1], [0, 0, 1, 1], [], []>, transpose_lhs_hint = false} : vector<3136x128xf32>, vector<128x16xf32>, vector<3136x16xf32> -> vector<3136x16xf32>
    %iota3A = tpu.iota {dimensions = array<i32: 1>} : vector<1x16xi32>
    %eq3A = arith.constant 10 : i32
    %eq3A_6 = vector.broadcast %eq3A : i32 to vector<1x16xi32>
    %eq3A_7 = arith.cmpi eq, %iota3A, %eq3A_6 : vector<1x16xi32>
    %convert_element_type3A = arith.extui %eq3A_7 : vector<1x16xi1> to vector<1x16xi32>
    %convert_element_type3A_8 = arith.sitofp %convert_element_type3A : vector<1x16xi32> to vector<1x16xf32>
    %add3A = vector.broadcast %convert_element_type3A_8 : vector<1x16xf32> to vector<3136x16xf32>
    %add3A_9 = arith.addf %dot_general3A_5, %add3A : vector<3136x16xf32>
    %reshape3A = vector.shape_cast %add3A_9 : vector<3136x16xf32> to vector<392x8x16xf32>
    %slice3A = vector.extract_strided_slice %reshape3A {offsets = [0, 0, 0], sizes = [392, 1, 16], strides = [1, 1, 1]} : vector<392x8x16xf32> to vector<392x1x16xf32>
    %squeeze3A = vector.shape_cast %slice3A : vector<392x1x16xf32> to vector<392x16xf32>
    %slice3A_10 = vector.extract_strided_slice %reshape3A {offsets = [0, 1, 0], sizes = [392, 1, 16], strides = [1, 1, 1]} : vector<392x8x16xf32> to vector<392x1x16xf32>
    %squeeze3A_11 = vector.shape_cast %slice3A_10 : vector<392x1x16xf32> to vector<392x16xf32>
    %slice3A_12 = vector.extract_strided_slice %reshape3A {offsets = [0, 2, 0], sizes = [392, 1, 16], strides = [1, 1, 1]} : vector<392x8x16xf32> to vector<392x1x16xf32>
    %squeeze3A_13 = vector.shape_cast %slice3A_12 : vector<392x1x16xf32> to vector<392x16xf32>
    %slice3A_14 = vector.extract_strided_slice %reshape3A {offsets = [0, 3, 0], sizes = [392, 1, 16], strides = [1, 1, 1]} : vector<392x8x16xf32> to vector<392x1x16xf32>
    %squeeze3A_15 = vector.shape_cast %slice3A_14 : vector<392x1x16xf32> to vector<392x16xf32>
    %slice3A_16 = vector.extract_strided_slice %reshape3A {offsets = [0, 4, 0], sizes = [392, 1, 16], strides = [1, 1, 1]} : vector<392x8x16xf32> to vector<392x1x16xf32>
    %squeeze3A_17 = vector.shape_cast %slice3A_16 : vector<392x1x16xf32> to vector<392x16xf32>
    %slice3A_18 = vector.extract_strided_slice %reshape3A {offsets = [0, 5, 0], sizes = [392, 1, 16], strides = [1, 1, 1]} : vector<392x8x16xf32> to vector<392x1x16xf32>
    %squeeze3A_19 = vector.shape_cast %slice3A_18 : vector<392x1x16xf32> to vector<392x16xf32>
    %slice3A_20 = vector.extract_strided_slice %reshape3A {offsets = [0, 6, 0], sizes = [392, 1, 16], strides = [1, 1, 1]} : vector<392x8x16xf32> to vector<392x1x16xf32>
    %squeeze3A_21 = vector.shape_cast %slice3A_20 : vector<392x1x16xf32> to vector<392x16xf32>
    %slice3A_22 = vector.extract_strided_slice %reshape3A {offsets = [0, 7, 0], sizes = [392, 1, 16], strides = [1, 1, 1]} : vector<392x8x16xf32> to vector<392x1x16xf32>
    %squeeze3A_23 = vector.shape_cast %slice3A_22 : vector<392x1x16xf32> to vector<392x16xf32>
    %concatenate3A = tpu.concatenate %squeeze3A, %squeeze3A_11, %squeeze3A_13, %squeeze3A_15, %squeeze3A_17, %squeeze3A_19, %squeeze3A_21, %squeeze3A_23 in 1 : vector<392x16xf32>, vector<392x16xf32>, vector<392x16xf32>, vector<392x16xf32>, vector<392x16xf32>, vector<392x16xf32>, vector<392x16xf32>, vector<392x16xf32> -> vector<392x128xf32>
    %swap3A = arith.constant 0 : index
    %swap3A_24 = arith.constant 0 : index
    %swap3A_25 = vector.load %arg3[%swap3A, %swap3A_24] : memref<392x128xf32, #tpu.memory_space<vmem>>, vector<392x128xf32>
    tpu.vector_store %arg3[%swap3A, %swap3A_24], %concatenate3A {strides = array<i32>} : memref<392x128xf32, #tpu.memory_space<vmem>>, vector<392x128xf32>,
    return
  }
  func.func @transform_0(%arg0: i32) -> (i32, i32) {
    %c0_i32 = arith.constant 0 : i32
    %c0_i32_0 = arith.constant 0 : i32
    return %arg0, %c0_i32 : i32, i32
  }
  func.func @transform_1(%arg0: i32) -> (i32, i32) {
    %c0_i32 = arith.constant 0 : i32
    %c0_i32_0 = arith.constant 0 : i32
    %c0_i32_1 = arith.constant 0 : i32
    return %c0_i32, %c0_i32_0 : i32, i32
  }
  func.func @transform_2(%arg0: i32) -> (i32, i32) {
    %c0_i32 = arith.constant 0 : i32
    %c0_i32_0 = arith.constant 0 : i32
    return %arg0, %c0_i32 : i32, i32
  }
}

</mosaic_0001>

<sc_bundles>
// kernel: kernel.4.cloned.1.call-start
scs
__scs_entry_jumppad:
0x0: {  	(pc) =	sbr.rel $0x88, $3  }
0x1: {  	(tag) =	ssettag $0x0;
	lr =	simm.s32 $0x1  }
0x2: {  	[smem:$0x3F9D] =	sst lr;
	_ =	strace $0xD0000000  }
0x3: {  	_ = 	snop  }
0x4: {  	_ = 	snop  }
0x5: {  	_ = 	snop  }
0x6: {  	_ = 	snop  }
0x7: {  	_ = 	snop  }
__scs_overlays_trampoline_lowered:
0x8: {  	[smem:$0x3FAC] =	sst s0  }
0x9: {  	[smem:$0x3FAD] =	sst s1  }
0xa: {  	[smem:$0x3FAE] =	sst s2  }
0xb: {  	[smem:$0x3FAF] =	sst s3  }
0xc: {  	[smem:$0x3FB0] =	sst s4  }
0xd: {  	[smem:$0x3FB1] =	sst s5  }
0xe: {  	[smem:$0x3FB2] =	sst s6  }
0xf: {  	[smem:$0x3FB3] =	sst s7  }
0x10: {  	[smem:$0x3FB4] =	sst s8  }
0x11: {  	[smem:$0x3FB5] =	sst s9;
	s0 =	simm.s32 @!p0 $0x0  }
0x12: {  	s1 =	sld [smem:$0x3F9B];
	s0 =	simm.s32 @p0 $0x1  }
0x13: {  	[smem:$0x3FB6] =	sst s0;
	s0 =	simm.s32 @!p1 $0x0  }
0x14: {  	s2 =	sld [smem:$0x3F9A];
	s0 =	simm.s32 @p1 $0x1  }
0x15: {  	[smem:$0x3FB7] =	sst s0;
	s0 =	simm.s32 @!p2 $0x0  }
0x16: {  	s3 =	sld [smem:$0x3FDB];
	s0 =	simm.s32 @p2 $0x1  }
0x17: {  	s4 =	simm.s32 $0x1BF5;
	[smem:$0x3FB9] =	sst s0  }
0x18: {  	s0 =	sld [smem:$0x3F9C];
	_ =	swait.ge [sflag:s4], $0x0  }
0x19: {  	s7 =	sld [smem:$0x3F9D]  }
0x1a: {  	s8 =	sadd.s32 $0xFFFFE003, lr  }
0x1b: {  	s9 =	sadd.s32 $0xFFFFFEF7, lr;
	s5 =	simm.s32 $0xFFFFFFFF;
	p2 =	slt.u32 s8, $0xFFFFF086  }
0x1c: {  	p1 =	slt.u32 s9, $0xF7A;
	s5 =	simm.s32 @!p2 $0x0  }
0x1d: {  	s5 =	simm.s32 @p1 $0x1;
	p0 =	seq.s32 s7, s2  }
0x1e: {  	s7 =	smul.u32 @!p0 $0xF7A, s2;
	p2 =	seq.s32 @!p0 s5, $0x0  }
0x1f: {  	s9 =	smul.u32 $0xF7A, s1;
	s8 =	simm.s32 @!p0 $0x1BF5;
	p2 =	por !p2, p0  }
0x20: {  	[sflag:s8] =	ssyncset.s32 @!p0 $0xFFFFF086;
	s6 =	sadd.s32 @!p0 s3, s7;
	s7 =	simm.s32 @!p0 $0x108  }
0x21: {  	s3 =	sadd.s32 s3, s9;
	s6 =	sadd.s32 @!p0 $0x88, s6;
	s7 =	simm.s32 @p2 $0x1082  }
0x22: {  	[simem:s7], [sflag:s8] =	dma.local @!p0 [hbm:s6], $0xF7A  }
0x23: {  	s9 =	sor.u32 $0xD0000000, s2;
	s6 =	simm.s32 $0x108;
	_ =	swait.ge @!p0 [sflag:s8], $0x0  }
0x24: {  	s3 =	sadd.s32 $0x88, s3;
	s6 =	simm.s32 @!p1 $0x1082;
	[sflag:s4] =	ssyncset.s32 $0xFFFFF086  }
0x25: {  	[simem:s6], [sflag:s4] =	dma.local [hbm:s3], $0xF7A  }
0x26: {  	[smem:$0x3F9D] =	sst s1;
	(tag) =	ssettag s2;
	_ =	strace s9  }
0x27: {  	s1 =	sld [smem:$0x3FAD]  }
0x28: {  	s2 =	sld [smem:$0x3FAE]  }
0x29: {  	s4 =	sld [smem:$0x3FB0]  }
0x2a: {  	p0 =	seq.s32 s5, $0x0;
	s5 =	sld [smem:$0x3FB1]  }
0x2b: {  	s6 =	sld [smem:$0x3FB2]  }
0x2c: {  	s7 =	sld [smem:$0x3FB3]  }
0x2d: {  	s3 =	simm.s32 $0x108;
	s8 =	sld [smem:$0x3FB4]  }
0x2e: {  	s3 =	simm.s32 @!p0 $0x1082;
	s9 =	sld [smem:$0x3FB5]  }
0x2f: {  	lr =	sadd.s32 s0, s3;
	s0 =	sld [smem:$0x3FAC]  }
0x30: {  	s3 =	sld [smem:$0x3FAF]  }
0x31: {  	[smem:$0x3FB8] =	sst s10  }
0x32: {  	s10 =	sld [smem:$0x3FB6];
	_ =	sdelay $0x3  }
0x33: {  	p0 =	seq.s32 s10, $0x1;
	s10 =	sld [smem:$0x3FB8];
	_ =	sdelay $0x3  }
0x34: {  	[smem:$0x3FB8] =	sst s10  }
0x35: {  	s10 =	sld [smem:$0x3FB7];
	_ =	sdelay $0x3  }
0x36: {  	p1 =	seq.s32 s10, $0x1;
	s10 =	sld [smem:$0x3FB8];
	_ =	sdelay $0x3  }
0x37: {  	[smem:$0x3FB8] =	sst s10  }
0x38: {  	s10 =	sld [smem:$0x3FB9]  }
0x39: {  	_ = 	snop;
	(pc) =	sbr.ind lr, $3  }
0x3a: {  	_ = 	snop  }
0x3b: {  	_ = 	snop  }
0x3c: {  	p2 =	seq.s32 s10, $0x1;
	s10 =	sld [smem:$0x3FB8]  }
0x3d: {  	_ =	shalt  }
0x3e: {  	_ =	shalt  }
0x3f: {  	_ =	shalt  }
0x40: {  	_ =	shalt  }
0x41: {  	_ =	shalt  }
0x42: {  	_ =	shalt  }
0x43: {  	_ =	shalt  }
0x44: {  	_ =	shalt  }
0x45: {  	_ =	shalt  }
0x46: {  	_ =	shalt  }
0x47: {  	_ =	shalt  }
0x48: {  	_ =	shalt  }
0x49: {  	_ =	shalt  }
0x4a: {  	_ =	shalt  }
0x4b: {  	_ =	shalt  }
0x4c: {  	_ =	shalt  }
0x4d: {  	_ =	shalt  }
0x4e: {  	_ =	shalt  }
0x4f: {  	_ =	shalt  }
0x50: {  	_ =	shalt  }
0x51: {  	_ =	shalt  }
0x52: {  	_ =	shalt  }
0x53: {  	_ =	shalt  }
0x54: {  	_ =	shalt  }
0x55: {  	_ =	shalt  }
0x56: {  	_ =	shalt  }
0x57: {  	_ =	shalt  }
0x58: {  	_ =	shalt  }
0x59: {  	_ =	shalt  }
0x5a: {  	_ =	shalt  }
0x5b: {  	_ =	shalt  }
0x5c: {  	_ =	shalt  }
0x5d: {  	_ =	shalt  }
0x5e: {  	_ =	shalt  }
0x5f: {  	_ =	shalt  }
0x60: {  	_ =	shalt  }
0x61: {  	_ =	shalt  }
0x62: {  	_ =	shalt  }
0x63: {  	_ =	shalt  }
0x64: {  	_ =	shalt  }
0x65: {  	_ =	shalt  }
0x66: {  	_ =	shalt  }
0x67: {  	_ =	shalt  }
0x68: {  	_ =	shalt  }
0x69: {  	_ =	shalt  }
0x6a: {  	_ =	shalt  }
0x6b: {  	_ =	shalt  }
0x6c: {  	_ =	shalt  }
0x6d: {  	_ =	shalt  }
0x6e: {  	_ =	shalt  }
0x6f: {  	_ =	shalt  }
0x70: {  	_ =	shalt  }
0x71: {  	_ =	shalt  }
0x72: {  	_ =	shalt  }
0x73: {  	_ =	shalt  }
0x74: {  	_ =	shalt  }
0x75: {  	_ =	shalt  }
0x76: {  	_ =	shalt  }
0x77: {  	_ =	shalt  }
0x78: {  	_ =	shalt  }
0x79: {  	_ =	shalt  }
0x7a: {  	_ =	shalt  }
0x7b: {  	_ =	shalt  }
0x7c: {  	_ =	shalt  }
0x7d: {  	_ =	shalt  }
0x7e: {  	_ =	shalt  }
0x7f: {  	_ =	shalt  }
0x80: {  	_ =	shalt  }
0x81: {  	_ =	shalt  }
0x82: {  	_ =	shalt  }
0x83: {  	_ =	shalt  }
0x84: {  	_ =	shalt  }
0x85: {  	_ =	shalt  }
0x86: {  	_ =	shalt  }
0x87: {  	_ =	shalt  }
.Lfunc_end0:
.L_simem_size_0:
called_computation_lowered:
.L_overlay_start_0:
0x88: {  	s2 =	sld [smem:$0x3FD9]  }
0x89: {  	s3 =	sld [smem:$0x3FFE];
	_ =	sdelay $0x1  }
0x8a: {  	s1 =	srdreg.scid  }
0x8b: {  	s0 =	sand.u32 $0x1, s1  }
0x8c: {  	s17 =	sshll.u32 s0, $0xA;
	s2 =	sadd.s32 s3, s2  }
0x8d: {  	s2 =	sadd.s32 s2, s17  }
0x8e: {  	[smem:$0x3FC4] =	sst s2  }
0x8f: {  	_ = 	snop  }
0x90: {  	s2 =	sld [smem:$0x3FD0];
	(tm) =	ssettm $0x1  }
0x91: {  	s18 =	sld [smem:$0x3FFB];
	_ =	sdelay $0x3  }
0x92: {  	_ =	strace s18  }
0x93: {  	s3 =	sld [smem:$0x3FFC];
	_ =	sdelay $0x3  }
0x94: {  	_ =	strace s3  }
0x95: {  	s3 =	sld [smem:$0x3FFD];
	_ =	sdelay $0x3  }
0x96: {  	_ =	strace s3  }
0x97: {  	_ =	strace $0x8FFFFFFF  }
0x98: {  	s19 =	sld [smem:$0x3FDB];
	_ =	sdelay $0x1  }
0x99: {  	s4 =	simm.s32 $_scs_section_size  }
0x9a: {  	s5 =	simm.s32 $_size__tile_overlayer_lowered;
	s6 =	simm.s32 $_tile_overlayer_lowered  }
0x9b: {  	s22 =	simm.s32 $0x1BFF;
	s21 =	sshll.u32 s6, $0x1;
	s3 =	sadd.s32 s4, s19  }
0x9c: {  	s7 =	simm.s32 $0x0;
	s20 =	sshll.u32 s5, $0x1;
	s5 =	sadd.s32 s21, s3  }
0x9d: {  	[timem:s7], [sflag:s22] =	dma.local [hbm:s5], s20  }
0x9e: {  	_ =	swait.ge [sflag:s22], s20  }
0x9f: {  	s4 =	ssub.s32 $0x0, s20;
	[sflag:s22] =	ssyncset.done $0x0  }
0xa0: {  	[sflag:s22] =	ssyncadd.s32 s4;
	_ =	sdelay $0x1  }
0xa1: {  	s23 =	simm.s32 $0x1B8B  }
0xa2: {  	_ =	swait.ge [sflag:s23], $0x1  }
0xa3: {  	[sflag:s23] =	ssyncset.done $0x0  }
0xa4: {  	s25 =	simm.s32 $0x1B8E;
	s24 =	sld [smem:$0x3FFE];
	[sflag:s23] =	ssyncadd.s32 $0xFFFFFFFF  }
0xa5: {  	s26 =	simm.s32 $execute0_lowered;
	[smem:$0x3FD2] =	sst s25  }
0xa6: {  	s5 =	sshll.u32 s26, $0x1;
	_ =	strace $0x80000046;
	[dreg:$0x1] =	wrdreg $0xFFFFFFFF  }
0xa7: {  	s28 =	simm.s32 $_size_execute0_lowered;
	s3 =	sadd.s32 s3, s5;
	[dreg:$0x0] =	wrdreg $0x0  }
0xa8: {  	s5 =	sshll.u32 s28, $0x1;
	[dreg:$0x2] =	wrdreg s3  }
0xa9: {  	[dreg:$0x3] =	wrdreg s5  }
0xaa: {  	[dreg:$0x4] =	wrdreg $0xC0  }
0xab: {  	_ =	task [dreg:s7], $0x5FFFF  }
0xac: {  	[dreg:$0x1] =	wrdreg $0xFFFFFFFF  }
0xad: {  	[dreg:$0x0] =	wrdreg $0x60  }
0xae: {  	[dreg:$0x2] =	wrdreg s24  }
0xaf: {  	[dreg:$0x3] =	wrdreg s2  }
0xb0: {  	[dreg:$0x4] =	wrdreg $0x1A5100  }
0xb1: {  	[dreg:$0x5] =	wrdreg $0x9  }
0xb2: {  	_ =	task.clear_ibuf [dreg:s7], $0x6FFFF;
	_ =	strace $0x90000046  }
0xb3: {  	s29 =	simm.s32 $0x9;
	_ =	strace $0x80000048  }
0xb4: {  	_ =	swait.ge [sflag:s29], $0x1  }
0xb5: {  	[sflag:s29] =	ssyncadd.s32 $0xFFFFFFFF  }
0xb6: {  	_ =	strace $0x90000048  }
0xb7: {  	_ =	sfence  }
0xb8: {  	s30 =	sld [smem:$0x0];
	_ =	sdelay $0x2  }
0xb9: {  	s31 =	sshll.u32 s1, $0xD;
	s1 =	sshrl.u32 s1, $0x2  }
0xba: {  	s3 =	sand.u32 $0x4000, s31;
	s1 =	sadd.s32 s1, s30  }
0xbb: {  	s0 =	sor.u32 s3, s0;
	s1 =	sshll.u32 s1, $0x11  }
0xbc: {  	s0 =	sor.u32 s1, s0  }
0xbd: {  	s0 =	sadd.s32 $0x8F2B, s0  }
0xbe: {  	[sflag:s0] =	ssyncadd.remote.s32 $0x1  }
0xbf: {  	_ =	sfence.sel $0xFFFF  }
0xc0: {  	[dreg:$0x0] =	wrdreg $0xFFFFFFFF;
	(pc) =	sbr.abs _section_cstart, $3  }
0xc1: {  	[dreg:$0x1] =	wrdreg $0xFFFFFFFF  }
0xc2: {  	_ =	task.clear_ibuf [dreg:s7], $0x2FFFF;
	_ =	strace $0x9FFFFFFF  }
0xc3: {  	(tm) =	ssettm $0x7FFFFFFF  }
tec
execute0_lowered:
.L_overlay_start_1:
0x0: {  	(tag) =	ssettag $0x1  }
0x1: {  	s4 =	rddreg [dreg:$0x0]  }
0x2: {  	s9 =	rddreg [dreg:$0x1]  }
0x3: {  	s2 =	rddreg [dreg:$0x2]  }
0x4: {  	s0 =	rddreg [dreg:$0x3];
	s1 =	stileid.u32;
	s3 =	simm.s32 $0x0  }
0x5: {  	s6 =	srdreg.scid;
	s13 =	simm.s32 $0x18800;
	s14 =	simm.s32 $0x1880  }
0x6: {  	s15 =	simm.s32 $0x1A500;
	s16 =	simm.s32 $0x1A080;
	s5 =	smul.u32 $0x3100, s1  }
0x7: {  	[smem:$0x7FF] =	sst s3;
	s7 =	smul.u32 $0x310, s1;
	s11 =	sand.u32 $0x1, s6  }
0x8: {  	s8 =	smul.u32 $0xA00, s1;
	s30 =	sshll.u32 s1, $0x9;
	s31 =	sshll.u32 s1, $0x6  }
0x9: {  	_ =	strace $0x80000047;
	s6 =	ssub.s32 $0x2, s11;
	s9 =	sadd.s32 s9, s31  }
.Ltmp0:
0xa: {  	p0 =	seq.s32 s11, $0x0;
	s11 =	simm.s32 $0x1A280;
	(pc) =	sbr.rel .LBB2_1-.Ltmp0, $4  }
0xb: {  	s10 =	sadd.s32 s5, s4;
	s7 =	sadd.s32 s7, s4;
	s28 =	sshrl.u32 s6, $0x1  }
0xc: {  	s4 =	sadd.s32 $0x800, s4;
	s29 =	sshrl.u32 s8, $0x2;
	s8 =	sadd.s32 s30, s2  }
0xd: {  	s12 =	ssub.s32 s6, s28;
	s5 =	sadd.s32 s29, s2;
	s6 =	sadd.s32 $0x31A00, s7  }
0xe: {  	v0 =	vimm.f32 $0.0e+00;
	v1 =	vimm.s32 $0xA;
	s7 =	sadd.s32 $0xA00, s10;
	s10 =	smax.u32 s12, $0x1;
	s12 =	simm.s32 $0x1  }
.LBB2_3:
0xf: {  	[spmem:s5] =	stream.linear.scatter [tilespmem:s11], [sflag:$0x1], $0x280, $0x38;
	[tilespmem:$0x1A790] =	vst v63  }
0x10: {  	_ =	swait.ge [sflag:s12], $0x280  }
0x11: {  	[sflag:s12] =	ssyncset.done $0x0  }
0x12: {  	[sflag:s12] =	ssyncadd.s32 $0xFFFFFD80  }
0x13: {  	[bflag:$0x0] =	sbarrier.arrive $0xFFFF  }
0x14: {  	[tilespmem:s13], [sflag:$0x1] =	stream.linear.gather [hbm4b:s6+s3], $0x1880, $0x38;
	[tilespmem:$0x1A790] =	vst v63  }
0x15: {  	_ =	swait.ge [sflag:s12], $0x1880  }
0x16: {  	[sflag:s12] =	ssyncset.done $0x0  }
0x17: {  	[sflag:s12] =	ssyncadd.s32 $0xFFFFE780  }
0x18: {  	[tilespmem:s3], [sflag:$0x1] =	stream.linear.gather [hbm4b:s7+s3], $0x18800, $0x38;
	[tilespmem:$0x1A790] =	vst v63  }
0x19: {  	_ =	swait.ge [sflag:s12], $0x18800  }
0x1a: {  	[sflag:s12] =	ssyncset.done $0x0  }
0x1b: {  	[sflag:s12] =	ssyncadd.s32 $0xFFFE7800  }
0x1c: {  	[spmem:s2] =	stream.indirect.scatter.add.f32 [tilespmem:s3], [sflag:$0x1], $0x10, s13, s14, $0xb8;
	[tilespmem:$0x1A790] =	vst v63  }
0x1d: {  	_ =	swait.ge [sflag:s12], $0x18800  }
0x1e: {  	[sflag:s12] =	ssyncset.done $0x0  }
0x1f: {  	[sflag:s12] =	ssyncadd.s32 $0xFFFE7800  }
0x20: {  	[bflag:$0x0] =	sbarrier.arrive $0xFFFF  }
0x21: {  	[tilespmem:s15], [sflag:$0x1] =	stream.linear.gather [hbm4b:s4+s3], $0x10, $0x38;
	[tilespmem:$0x1A790] =	vst v63  }
0x22: {  	_ =	swait.ge [sflag:s12], $0x10  }
0x23: {  	[sflag:s12] =	ssyncset.done $0x0  }
0x24: {  	[sflag:s12] =	ssyncadd.s32 $0xFFFFFFF0  }
0x25: {  	[tilespmem:s16], [sflag:$0x1] =	stream.linear.gather [spmem:s8], $0x200, $0x38;
	[tilespmem:$0x1A790] =	vst v63  }
0x26: {  	_ =	swait.ge [sflag:s12], $0x200  }
0x27: {  	[sflag:s12] =	ssyncset.done $0x0  }
0x28: {  	[sflag:s12] =	ssyncadd.s32 $0xFFFFFE00  }
0x29: {  	v2 =	vld [tilespmem:$0x1A080]  }
0x2a: {  	v3 =	vld [tilespmem:$0x1A090]  }
0x2b: {  	v4 =	vld [tilespmem:$0x1A0A0]  }
0x2c: {  	v5 =	vld [tilespmem:$0x1A0B0]  }
0x2d: {  	v6 =	vld [tilespmem:$0x1A0C0]  }
0x2e: {  	v8 =	vld [tilespmem:$0x1A0D0];
	v7 =	vperm.xlane v2, v1  }
0x2f: {  	v9 =	vperm.xlane v3, v1  }
0x30: {  	v10 =	vperm.xlane v4, v1;
	v7 =	vmax.f32 v7, $1.000000000e+00  }
0x31: {  	v31 =	vperm.xlane v5, v1;
	v30 =	vmax.f32 v9, $1.000000000e+00;
	(erf) = vrcp.f32 v7  }
0x32: {  	v33 =	vperm.xlane v6, v1;
	v32 =	vmax.f32 v10, $1.000000000e+00;
	(erf) = vrcp.f32 v30  }
0x33: {  	v35 =	vperm.xlane v8, v1;
	v34 =	vmax.f32 v31, $1.000000000e+00;
	(erf) = vrcp.f32 v32  }
0x34: {  	v36 =	vmax.f32 v33, $1.000000000e+00;
	(erf) = vrcp.f32 v34  }
0x35: {  	v37 =	vmax.f32 v35, $1.000000000e+00;
	(erf) = vrcp.f32 v36  }
0x36: {  	v38 =	vld [tilespmem:$0x1A0E0];
	(erf) = vrcp.f32 v37  }
0x37: {  	v40 =	vld [tilespmem:$0x1A0F0]  }
0x38: {  	v12 =	vld [tilespmem:$0x1A100]  }
0x39: {  	v13 =	vld [tilespmem:$0x1A110]  }
0x3a: {  	v41 =	vld [tilespmem:$0x1A120];
	v39 =	vpop (erf)  }
0x3b: {  	v15 =	vld [tilespmem:$0x1A130];
	v14 =	vperm.xlane v38, v1;
	v11 =	vpop (erf)  }
0x3c: {  	v17 =	vld [tilespmem:$0x1A140];
	v16 =	vperm.xlane v40, v1;
	v9 =	vmul.f32 v39, v2;
	v2 =	vpop (erf)  }
0x3d: {  	v18 =	vld [tilespmem:$0x1A150];
	v42 =	vperm.xlane v12, v1;
	v4 =	vmul.f32 v2, v4;
	v2 =	vpop (erf)  }
0x3e: {  	v19 =	vld [tilespmem:$0x1A160];
	v43 =	vperm.xlane v13, v1;
	v5 =	vmul.f32 v2, v5;
	v2 =	vpop (erf)  }
0x3f: {  	v20 =	vld [tilespmem:$0x1A170];
	v44 =	vperm.xlane v41, v1;
	v6 =	vmul.f32 v2, v6;
	v2 =	vpop (erf)  }
0x40: {  	v21 =	vld [tilespmem:$0x1A180];
	v45 =	vperm.xlane v15, v1;
	v8 =	vmul.f32 v2, v8;
	v2 =	vmax.f32 v14, $1.000000000e+00  }
0x41: {  	v22 =	vld [tilespmem:$0x1A190];
	v46 =	vperm.xlane v17, v1;
	(erf) = vrcp.f32 v2;
	v2 =	vmax.f32 v16, $1.000000000e+00  }
0x42: {  	v23 =	vld [tilespmem:$0x1A1A0];
	v47 =	vperm.xlane v18, v1;
	(erf) = vrcp.f32 v2;
	v2 =	vmax.f32 v42, $1.000000000e+00  }
0x43: {  	v24 =	vld [tilespmem:$0x1A1B0];
	v48 =	vperm.xlane v19, v1;
	(erf) = vrcp.f32 v2;
	v2 =	vmax.f32 v43, $1.000000000e+00  }
0x44: {  	v26 =	vld [tilespmem:$0x1A1C0];
	v49 =	vperm.xlane v20, v1;
	(erf) = vrcp.f32 v2;
	v2 =	vmax.f32 v44, $1.000000000e+00  }
0x45: {  	v25 =	vperm.xlane v21, v1;
	(erf) = vrcp.f32 v2;
	v2 =	vmax.f32 v45, $1.000000000e+00  }
0x46: {  	v51 =	vperm.xlane v22, v1;
	(erf) = vrcp.f32 v2;
	v2 =	vmax.f32 v46, $1.000000000e+00  }
0x47: {  	v53 =	vperm.xlane v23, v1;
	(erf) = vrcp.f32 v2;
	v2 =	vmax.f32 v47, $1.000000000e+00  }
0x48: {  	v57 =	vperm.xlane v24, v1;
	v14 =	vmax.f32 v48, $1.000000000e+00;
	(erf) = vrcp.f32 v2;
	v2 =	vld [tilespmem:$0x1A500]  }
0x49: {  	v59 =	vperm.xlane v26, v1;
	v50 =	vmax.f32 v49, $1.000000000e+00;
	(erf) = vrcp.f32 v14  }
0x4a: {  	v52 =	vmax.f32 v25, $1.000000000e+00;
	v54 =	vmax.f32 v51, $1.000000000e+00;
	v27 =	vpop (erf);
	(erf) = vrcp.f32 v50  }
0x4b: {  	v56 =	vmax.f32 v53, $1.000000000e+00;
	v25 =	vmax.f32 v57, $1.000000000e+00;
	(erf) = vrcp.f32 v52;
	v55 =	vpop (erf)  }
0x4c: {  	v3 =	vmul.f32 v11, v3;
	v14 =	vmax.f32 v59, $1.000000000e+00;
	(erf) = vrcp.f32 v54;
	v58 =	vpop (erf)  }
0x4d: {  	v7 =	vmul.f32 v27, v38;
	(erf) = vrcp.f32 v56;
	v28 =	vpop (erf);
	v9 =	vadd.f32 v9, v2  }
0x4e: {  	v10 =	vmul.f32 v55, v40;
	v54 =	vld [tilespmem:$0x1A230];
	v3 =	vadd.f32 v3, v2;
	v4 =	vadd.f32 v4, v2;
	v60 =	vpop (erf)  }
0x4f: {  	v5 =	vadd.f32 v5, v2;
	v6 =	vadd.f32 v6, v2;
	(erf) = vrcp.f32 v25;
	v25 =	vld [tilespmem:$0x1A1D0];
	v61 =	vpop (erf)  }
0x50: {  	v8 =	vadd.f32 v8, v2;
	v12 =	vmul.f32 v58, v12;
	v7 =	vadd.f32 v7, v2;
	v58 =	vld [tilespmem:$0x1A240];
	v62 =	vpop (erf)  }
0x51: {  	v10 =	vadd.f32 v10, v2;
	v13 =	vmul.f32 v28, v13;
	v28 =	vld [tilespmem:$0x1A260];
	(erf) = vrcp.f32 v14;
	v63 =	vpop (erf)  }
0x52: {  	v12 =	vadd.f32 v12, v2;
	v11 =	vmul.f32 v60, v41;
	v15 =	vmul.f32 v61, v15;
	v61 =	vld [tilespmem:$0x1A250];
	v30 =	vpop (erf)  }
0x53: {  	[tilespmem:$0x1A080] =	vst v9;
	v31 =	vadd.f32 v13, v2;
	v32 =	vmul.f32 v62, v17;
	v33 =	vmul.f32 v63, v18;
	v18 =	vld [tilespmem:$0x1A1E0];
	v34 =	vpop (erf)  }
0x54: {  	[tilespmem:$0x1A090] =	vst v3;
	v35 =	vadd.f32 v15, v2;
	v36 =	vmul.f32 v30, v19;
	v19 =	vld [tilespmem:$0x1A1F0];
	v49 =	vperm.xlane v25, v1;
	v37 =	vpop (erf)  }
0x55: {  	[tilespmem:$0x1A0A0] =	vst v4;
	v38 =	vadd.f32 v32, v2;
	v32 =	vperm.xlane v54, v1;
	v40 =	vmul.f32 v34, v20;
	v20 =	vld [tilespmem:$0x1A200];
	v41 =	vpop (erf)  }
0x56: {  	[tilespmem:$0x1A0B0] =	vst v5;
	v39 =	vadd.f32 v33, v2;
	v33 =	vperm.xlane v58, v1;
	v43 =	vmul.f32 v37, v21;
	v21 =	vld [tilespmem:$0x1A210];
	v45 =	vpop (erf)  }
0x57: {  	v3 =	vadd.f32 v11, v2;
	[tilespmem:$0x1A130] =	vst v35;
	v35 =	vperm.xlane v28, v1;
	v47 =	vmul.f32 v45, v23;
	v23 =	vld [tilespmem:$0x1A220]  }
0x58: {  	[tilespmem:$0x1A0C0] =	vst v6;
	v42 =	vadd.f32 v36, v2;
	v34 =	vperm.xlane v61, v1;
	v53 =	vperm.xlane v18, v1  }
0x59: {  	[tilespmem:$0x1A0D0] =	vst v8;
	v56 =	vmax.f32 v49, $1.000000000e+00;
	v44 =	vmul.f32 v41, v22;
	v57 =	vperm.xlane v19, v1  }
0x5a: {  	[tilespmem:$0x1A0E0] =	vst v7;
	(erf) = vrcp.f32 v56;
	v59 =	vmax.f32 v53, $1.000000000e+00;
	v60 =	vperm.xlane v20, v1  }
0x5b: {  	[tilespmem:$0x1A110] =	vst v31;
	v31 =	vld [tilespmem:$0x1A270];
	(erf) = vrcp.f32 v59;
	v62 =	vmax.f32 v57, $1.000000000e+00;
	v63 =	vperm.xlane v21, v1  }
0x5c: {  	[tilespmem:$0x1A0F0] =	vst v10;
	(erf) = vrcp.f32 v62;
	v29 =	vmax.f32 v60, $1.000000000e+00;
	v30 =	vperm.xlane v23, v1  }
0x5d: {  	[tilespmem:$0x1A120] =	vst v3;
	v46 =	vadd.f32 v40, v2;
	(erf) = vrcp.f32 v29;
	v3 =	vmax.f32 v63, $1.000000000e+00  }
0x5e: {  	[tilespmem:$0x1A100] =	vst v12;
	v37 =	vmax.f32 v35, $1.000000000e+00;
	v48 =	vpop (erf);
	(erf) = vrcp.f32 v3;
	v3 =	vmax.f32 v30, $1.000000000e+00  }
0x5f: {  	[tilespmem:$0x1A140] =	vst v38;
	v50 =	vadd.f32 v43, v2;
	v52 =	vpop (erf);
	(erf) = vrcp.f32 v3;
	v3 =	vmax.f32 v32, $1.000000000e+00  }
0x60: {  	[tilespmem:$0x1A150] =	vst v39;
	v36 =	vperm.xlane v31, v1;
	(erf) = vrcp.f32 v3;
	v3 =	vmax.f32 v33, $1.000000000e+00  }
0x61: {  	[tilespmem:$0x1A160] =	vst v42;
	v51 =	vmul.f32 v48, v24;
	(erf) = vrcp.f32 v3;
	v3 =	vmax.f32 v34, $1.000000000e+00  }
0x62: {  	[tilespmem:$0x1A170] =	vst v46;
	v55 =	vmul.f32 v52, v26;
	(erf) = vrcp.f32 v3;
	v3 =	vadd.f32 v44, v2  }
0x63: {  	[tilespmem:$0x1A180] =	vst v50;
	v39 =	vadd.f32 v47, v2;
	v4 =	vmax.f32 v36, $1.000000000e+00;
	v38 =	vpop (erf);
	(erf) = vrcp.f32 v37  }
0x64: {  	v6 =	vmul.f32 v38, v25;
	v40 =	vpop (erf);
	[tilespmem:$0x1A190] =	vst v3;
	v3 =	vadd.f32 v51, v2;
	(erf) = vrcp.f32 v4  }
0x65: {  	[tilespmem:$0x1A1A0] =	vst v39;
	v42 =	vadd.f32 v55, v2;
	v41 =	vpop (erf);
	v43 =	vmul.f32 v40, v18  }
0x66: {  	v44 =	vpop (erf);
	v4 =	vmul.f32 v41, v19;
	[tilespmem:$0x1A1B0] =	vst v3;
	v3 =	vadd.f32 v6, v2  }
0x67: {  	[tilespmem:$0x1A1C0] =	vst v42;
	v45 =	vpop (erf);
	v46 =	vadd.f32 v43, v2;
	v47 =	vmul.f32 v44, v20  }
0x68: {  	v49 =	vmul.f32 v45, v21;
	v48 =	vpop (erf);
	[tilespmem:$0x1A1D0] =	vst v3;
	v3 =	vadd.f32 v4, v2  }
0x69: {  	[tilespmem:$0x1A1E0] =	vst v46;
	v51 =	vadd.f32 v47, v2;
	v50 =	vpop (erf);
	v52 =	vmul.f32 v48, v23  }
0x6a: {  	v53 =	vpop (erf);
	[tilespmem:$0x1A1F0] =	vst v3;
	v3 =	vadd.f32 v49, v2;
	v54 =	vmul.f32 v50, v54  }
0x6b: {  	[tilespmem:$0x1A200] =	vst v51;
	v55 =	vpop (erf);
	v56 =	vadd.f32 v52, v2;
	v57 =	vmul.f32 v53, v58  }
0x6c: {  	v58 =	vpop (erf);
	[tilespmem:$0x1A210] =	vst v3;
	v3 =	vmul.f32 v55, v61;
	v4 =	vadd.f32 v54, v2  }
0x6d: {  	[tilespmem:$0x1A220] =	vst v56;
	v59 =	vadd.f32 v57, v2;
	v60 =	vmul.f32 v58, v28;
	v61 =	vpop (erf)  }
0x6e: {  	[tilespmem:$0x1A230] =	vst v4;
	v62 =	vmul.f32 v61, v31;
	v3 =	vadd.f32 v3, v2  }
0x6f: {  	[tilespmem:$0x1A240] =	vst v59;
	v63 =	vadd.f32 v60, v2  }
0x70: {  	[tilespmem:$0x1A250] =	vst v3;
	v2 =	vadd.f32 v62, v2  }
0x71: {  	[tilespmem:$0x1A260] =	vst v63  }
0x72: {  	[tilespmem:$0x1A270] =	vst v2  }
0x73: {  	[hbm4b:s9+s3] =	stream.linear.scatter [tilespmem:s16], [sflag:$0x1], $0x200, $0x38;
	[tilespmem:$0x1A790] =	vst v63  }
0x74: {  	_ =	swait.ge [sflag:s12], $0x200  }
0x75: {  	[sflag:s12] =	ssyncset.done $0x0  }
0x76: {  	[sflag:s12] =	ssyncadd.s32 $0xFFFFFE00  }
.LBB2_4:
0x77: {  	s10 =	sadd.s32 $0xFFFFFFFF, s10  }
0x78: {  	p1 =	sne.s32 s10, $0x0  }
.Ltmp1:
0x79: {  	_ = 	snop;
	(pc) =	sbr.rel @!p1 .LBB2_5-.Ltmp1, $1  }
0x7a: {  	_ =	sdelay $0x3  }
.LBB2_1:
0x7b: {  	[tilespmem:$0x1A280] =	vst v0  }
0x7c: {  	[tilespmem:$0x1A290] =	vst v0  }
0x7d: {  	[tilespmem:$0x1A2A0] =	vst v0  }
0x7e: {  	[tilespmem:$0x1A2B0] =	vst v0  }
0x7f: {  	[tilespmem:$0x1A2C0] =	vst v0  }
0x80: {  	[tilespmem:$0x1A2D0] =	vst v0  }
0x81: {  	[tilespmem:$0x1A2E0] =	vst v0  }
0x82: {  	[tilespmem:$0x1A2F0] =	vst v0  }
0x83: {  	[tilespmem:$0x1A300] =	vst v0  }
0x84: {  	[tilespmem:$0x1A310] =	vst v0  }
0x85: {  	[tilespmem:$0x1A320] =	vst v0  }
0x86: {  	[tilespmem:$0x1A330] =	vst v0  }
0x87: {  	[tilespmem:$0x1A340] =	vst v0  }
0x88: {  	[tilespmem:$0x1A350] =	vst v0  }
0x89: {  	[tilespmem:$0x1A360] =	vst v0  }
0x8a: {  	[tilespmem:$0x1A370] =	vst v0  }
0x8b: {  	[tilespmem:$0x1A380] =	vst v0  }
0x8c: {  	[tilespmem:$0x1A390] =	vst v0  }
0x8d: {  	[tilespmem:$0x1A3A0] =	vst v0  }
0x8e: {  	[tilespmem:$0x1A3B0] =	vst v0  }
0x8f: {  	[tilespmem:$0x1A3C0] =	vst v0  }
0x90: {  	[tilespmem:$0x1A3D0] =	vst v0  }
0x91: {  	[tilespmem:$0x1A3E0] =	vst v0  }
0x92: {  	[tilespmem:$0x1A3F0] =	vst v0  }
0x93: {  	[tilespmem:$0x1A400] =	vst v0  }
0x94: {  	[tilespmem:$0x1A410] =	vst v0  }
0x95: {  	[tilespmem:$0x1A420] =	vst v0  }
0x96: {  	[tilespmem:$0x1A430] =	vst v0  }
0x97: {  	[tilespmem:$0x1A440] =	vst v0  }
0x98: {  	[tilespmem:$0x1A450] =	vst v0  }
0x99: {  	[tilespmem:$0x1A460] =	vst v0  }
0x9a: {  	[tilespmem:$0x1A470] =	vst v0  }
0x9b: {  	[tilespmem:$0x1A480] =	vst v0  }
0x9c: {  	[tilespmem:$0x1A490] =	vst v0  }
0x9d: {  	[tilespmem:$0x1A4A0] =	vst v0  }
.Ltmp2:
0x9e: {  	[tilespmem:$0x1A4B0] =	vst v0;
	(pc) =	sbr.rel @p0 .LBB2_3-.Ltmp2, $4  }
0x9f: {  	[tilespmem:$0x1A4C0] =	vst v0  }
0xa0: {  	[tilespmem:$0x1A4D0] =	vst v0  }
0xa1: {  	[tilespmem:$0x1A4E0] =	vst v0  }
0xa2: {  	[tilespmem:$0x1A4F0] =	vst v0  }
.Ltmp3:
0xa3: {  	(pc) =	sbr.rel .LBB2_4-.Ltmp3, $3  }
0xa4: {  	_ = 	snop  }
0xa5: {  	[bflag:$0x0] =	sbarrier.arrive $0xFFFF  }
0xa6: {  	[bflag:$0x0] =	sbarrier.arrive $0xFFFF;
	_ =	sdelay $0x1  }
.LBB2_5:
0xa7: {  	_ =	sfence.sel $0x180000  }
0xa8: {  	[bflag:$0x0] =	sbarrier.arrive $0xFFFF  }
0xa9: {  	p0 =	sne.s32 s1, $0x0;
	_ =	strace $0x90000047  }
0xaa: {  	s0 =	sadd.s32 @!p0 $0x100000, s0;
	[bflag:$0x2] =	sbarrier.arrive $0xFFFF  }
0xab: {  	[sflag:s0] =	ssyncadd.tile.s32 @!p0 $0x1;
	_ =	shalt  }
.Lfunc_end2:
_tile_overlayer_lowered:
.L_overlay_start_2:
0xac: {  	(tag) =	ssettag $0x2  }
0xad: {  	s0 =	rddreg [dreg:$0x0];
	s2 =	stileid.u32  }
0xae: {  	s1 =	rddreg [dreg:$0x1];
	p0 =	sne.s32 s2, $0x0  }
0xaf: {  	s3 =	rddreg [dreg:$0x2];
	[bflag:$0x3] =	sbarrier.arrive $0xFFFF;
	s2 =	simm.s32 @!p0 $0x1C01  }
0xb0: {  	[timem:s3], [sflag:s2] =	dma.local @!p0 [hbm:s0], s1  }
0xb1: {  	s0 =	simm.s32 @!p0 $0x1  }
0xb2: {  	_ =	swait.ge @!p0 [sflag:s0], s1  }
0xb3: {  	s1 =	ssub.s32 @!p0 $0x0, s1;
	[sflag:s0] =	ssyncset.done @!p0 $0x0  }
0xb4: {  	[sflag:s0] =	ssyncadd.s32 @!p0 s1  }
0xb5: {  	[bflag:$0x3] =	sbarrier.arrive $0xFFFF  }
0xb6: {  	_ =	shalt  }

</sc_bundles>
